<compile_context>
chip_gen: v7x
topology: tpu7x:2x2x1
jax: 0.10.2.dev20260603
libtpu: 0.0.44.dev20260713+nightly
codegen_flags: <defaults>
</compile_context>

<pallas_src>
import jax
import jax.numpy as jnp
from jax import lax
from jax.experimental import pallas as pl
from jax.experimental.pallas import tpu as pltpu
from jax.experimental.pallas import tpu_sc as plsc

N = 10000
D = 128
H = 128
C = 40
EPS = 1e-5

NC = 2
NS = 16
NW = NC * NS
CHUNK = 128
N_PAD = 10240
ROWS_PER_TILE = N_PAD // NS
W1 = 144
W3 = 48


def _make_sc_agg(n_chunks, width):

    def body(p_hbm, src_hbm, dst_hbm, acc_out, src_v, dst_v, rows_v,
             acc_sh, sem):
        c = lax.axis_index("c")
        s = lax.axis_index("s")
        wid = c * NS + s

        zeros16 = jnp.zeros((16,), jnp.float32)

        @pl.loop(0, CHUNK)
        def _(r):
            for k in range(width // 16):
                rows_v[r, pl.ds(k * 16, 16)] = zeros16

        row0 = s * ROWS_PER_TILE

        @pl.loop(0, ROWS_PER_TILE // CHUNK)
        def _(b):
            pltpu.sync_copy(rows_v, acc_sh.at[pl.ds(row0 + b * CHUNK, CHUNK)])

        pltpu.sync_copy(src_hbm.at[wid], src_v)
        pltpu.sync_copy(dst_hbm.at[wid], dst_v)

        plsc.subcore_barrier()

        @pl.loop(0, n_chunks)
        def _(j):
            pltpu.async_copy(p_hbm.at[src_v.at[j]], rows_v, sem).wait()
            pltpu.sync_copy(rows_v, acc_sh.at[dst_v.at[j]], add=True)

        plsc.subcore_barrier()

        rows = pl.ds(row0, ROWS_PER_TILE)
        pltpu.sync_copy(acc_sh.at[rows], acc_out.at[c, rows])

    return pl.kernel(
        body,
        out_type=jax.ShapeDtypeStruct((NC, N_PAD, width), jnp.float32),
        mesh=plsc.VectorSubcoreMesh(core_axis_name="c", subcore_axis_name="s"),
        compiler_params=pltpu.CompilerParams(use_tc_tiling_on_sc=False),
        scratch_types=[
            pltpu.VMEM((n_chunks, CHUNK), jnp.int32),
            pltpu.VMEM((n_chunks, CHUNK), jnp.int32),
            pltpu.VMEM((CHUNK, width), jnp.float32),
            pltpu.VMEM_SHARED((N_PAD, width), jnp.float32),
            pltpu.SemaphoreType.DMA,
        ],
    )




def _tc_first(x, wl):

    def body(x_ref, w_ref, o_ref):
        o_ref[:, :H] = jnp.dot(x_ref[...], w_ref[...],
                               preferred_element_type=jnp.float32)
        col = lax.broadcasted_iota(jnp.int32, (N, W1 - H), 1)
        o_ref[:, H:] = jnp.where(col == 0, 1.0, 0.0)

    return pl.pallas_call(
        body,
        out_shape=jax.ShapeDtypeStruct((N, W1), jnp.float32),
    )(x, wl)


def _tc_mid1(agg, x, wr, b, g, be, wl_next):

    def body(agg_ref, x_ref, wr_ref, b_ref, g_ref, be_ref, wln_ref,
             h_ref, p_ref, den_ref):
        asum = agg_ref[0, :N, :] + agg_ref[1, :N, :]
        denom = jnp.maximum(asum[:, H:H + 1], 1.0)
        den_ref[...] = denom
        mean = asum[:, :H] / denom
        hpre = mean + jnp.dot(x_ref[...], wr_ref[...],
                              preferred_element_type=jnp.float32) + b_ref[...]
        mu = jnp.mean(hpre, axis=0)
        var = jnp.mean((hpre - mu) ** 2, axis=0)
        h = jnp.maximum((hpre - mu) / jnp.sqrt(var + EPS) * g_ref[...]
                        + be_ref[...], 0.0)
        h_ref[...] = h
        p_ref[...] = jnp.dot(h, wln_ref[...],
                             preferred_element_type=jnp.float32)

    return pl.pallas_call(
        body,
        out_shape=(
            jax.ShapeDtypeStruct((N, H), jnp.float32),
            jax.ShapeDtypeStruct((N, H), jnp.float32),
            jax.ShapeDtypeStruct((N, 1), jnp.float32),
        ),
    )(agg, x, wr, b, g, be, wl_next)


def _tc_mid2(agg, den, xin, wr, b, g, be, wl_next):
    def body(agg_ref, den_ref, x_ref, wr_ref, b_ref, g_ref, be_ref,
             wln_ref, h_ref, p_ref):
        asum = agg_ref[0, :N, :] + agg_ref[1, :N, :]
        mean = asum / den_ref[...]
        hpre = mean + jnp.dot(x_ref[...], wr_ref[...],
                              preferred_element_type=jnp.float32) + b_ref[...]
        mu = jnp.mean(hpre, axis=0)
        var = jnp.mean((hpre - mu) ** 2, axis=0)
        h = jnp.maximum((hpre - mu) / jnp.sqrt(var + EPS) * g_ref[...]
                        + be_ref[...], 0.0)
        h_ref[...] = h
        p_ref[...] = jnp.dot(h, wln_ref[...],
                             preferred_element_type=jnp.float32)

    return pl.pallas_call(
        body,
        out_shape=(
            jax.ShapeDtypeStruct((N, H), jnp.float32),
            jax.ShapeDtypeStruct((N, wl_next.shape[1]), jnp.float32),
        ),
    )(agg, den, xin, wr, b, g, be, wl_next)


def _tc_final(agg, den, xin, wr, b):
    def body(agg_ref, den_ref, x_ref, wr_ref, b_ref, o_ref):
        asum = agg_ref[0, :N, :C] + agg_ref[1, :N, :C]
        mean = asum / den_ref[...]
        o = mean + jnp.dot(x_ref[...], wr_ref[...],
                           preferred_element_type=jnp.float32) + b_ref[...]
        m = jnp.max(o, axis=1, keepdims=True)
        z = o - m
        lse = jnp.log(jnp.sum(jnp.exp(z), axis=1, keepdims=True))
        o_ref[...] = z - lse

    return pl.pallas_call(
        body,
        out_shape=jax.ShapeDtypeStruct((N, C), jnp.float32),
    )(agg, den, xin, wr, b)


def kernel(x, edge_index, Wl1, Wr1, b1, g1, be1, Wl2, Wr2, b2, g2, be2,
           Wl3, Wr3, b3):
    e = edge_index.shape[1]
    n_chunks = -(-e // (NW * CHUNK))
    e_pad = NW * n_chunks * CHUNK

    src = edge_index[0].astype(jnp.int32)
    dst = edge_index[1].astype(jnp.int32)
    pad = e_pad - e
    if pad:
        src = jnp.concatenate([src, jnp.zeros((pad,), jnp.int32)])
        dst = jnp.concatenate([dst, jnp.full((pad,), N, jnp.int32)])
    src3 = src.reshape(NW, n_chunks, CHUNK)
    dst3 = dst.reshape(NW, n_chunks, CHUNK)

    wl3p = jnp.concatenate(
        [Wl3, jnp.zeros((H, W3 - C), jnp.float32)], axis=1)

    p1 = _tc_first(x, Wl1)
    a1 = _make_sc_agg(n_chunks, W1)(p1, src3, dst3)
    h1, p2, den = _tc_mid1(a1, x, Wr1, b1, g1, be1, Wl2)
    a2 = _make_sc_agg(n_chunks, H)(p2, src3, dst3)
    h2, p3 = _tc_mid2(a2, den, h1, Wr2, b2, g2, be2, wl3p)
    a3 = _make_sc_agg(n_chunks, W3)(p3, src3, dst3)
    return _tc_final(a3, den, h2, Wr3, b3)

# --- scband reference (transcript-rebuilt; emitter-appended) ---
"""Pipeline reference for scband-sage-net-79173427134886 (READ-ONLY COPY).

The authoritative reference and input builder live on the scoring server;
editing this copy changes nothing except your own understanding.
"""

import jax, jax.numpy as jnp
import numpy as np

N = 10000
E = 320000
D = 128
H = 128
C = 40
EPS = 1e-5


def sage_conv(x, edge_index, Wl, Wr, b):
    # PyG SAGEConv: out_i = lin_l(mean_{j in N(i)} x_j) + lin_r(x_i)
    src = edge_index[0]
    dst = edge_index[1]
    msgs = jnp.take(x, src, axis=0)
    sums = jax.ops.segment_sum(msgs, dst, num_segments=N)
    cnt = jax.ops.segment_sum(jnp.ones((msgs.shape[0],), x.dtype), dst, num_segments=N)
    mean = sums / jnp.clip(cnt, 1.0)[:, None]
    return mean @ Wl + x @ Wr + b


def batch_norm(h, gamma, beta):
    mu = jnp.mean(h, axis=0)
    var = jnp.var(h, axis=0)
    return (h - mu) / jnp.sqrt(var + EPS) * gamma + beta


def setup_inputs(seed: int = 0) -> dict:
    key = jax.random.key(seed)
    ks = jax.random.split(key, 16)
    x = jax.random.normal(ks[0], (N, D), dtype=jnp.float32)
    edge_index = jax.random.randint(ks[1], (2, E), 0, N)
    s1 = 1.0 / np.sqrt(D)
    s2 = 1.0 / np.sqrt(H)
    inp = {
        "x": x,
        "edge_index": edge_index,
        "Wl1": jax.random.normal(ks[2], (D, H), dtype=jnp.float32) * s1,
        "Wr1": jax.random.normal(ks[3], (D, H), dtype=jnp.float32) * s1,
        "b1": jnp.zeros((H,), dtype=jnp.float32),
        "g1": jnp.ones((H,), dtype=jnp.float32),
        "be1": jnp.zeros((H,), dtype=jnp.float32),
        "Wl2": jax.random.normal(ks[4], (H, H), dtype=jnp.float32) * s2,
        "Wr2": jax.random.normal(ks[5], (H, H), dtype=jnp.float32) * s2,
        "b2": jnp.zeros((H,), dtype=jnp.float32),
        "g2": jnp.ones((H,), dtype=jnp.float32),
        "be2": jnp.zeros((H,), dtype=jnp.float32),
        "Wl3": jax.random.normal(ks[6], (H, C), dtype=jnp.float32) * s2,
        "Wr3": jax.random.normal(ks[7], (H, C), dtype=jnp.float32) * s2,
        "b3": jnp.zeros((C,), dtype=jnp.float32),
    }
    return inp


def reference(x, edge_index, Wl1, Wr1, b1, g1, be1, Wl2, Wr2, b2, g2, be2, Wl3, Wr3, b3):
    # eval mode: dropout is identity
    h = sage_conv(x, edge_index, Wl1, Wr1, b1)
    h = batch_norm(h, g1, be1)
    h = jax.nn.relu(h)
    h = sage_conv(h, edge_index, Wl2, Wr2, b2)
    h = batch_norm(h, g2, be2)
    h = jax.nn.relu(h)
    h = sage_conv(h, edge_index, Wl3, Wr3, b3)
    return jax.nn.log_softmax(h, axis=1)

if __name__ == "__main__":
    import jax
    _d = setup_inputs()
    print(jax.jit(kernel)(*tuple(_d.values())))

</pallas_src>

<mosaic_0001>
#map = affine_map<(d0, d1) -> (0, 0)>
#map1 = affine_map<(d0, d1) -> (0, 0, 0)>
module attributes {stable_mosaic.version = 14 : i64} {
  func.func @body(%arg0: i32, %arg1: i32, %arg2: memref<10000x128xf32, #tpu.memory_space<hbm>>, %arg3: memref<32x79x128xi32, #tpu.memory_space<hbm>>, %arg4: memref<32x79x128xi32, #tpu.memory_space<hbm>>, %arg5: memref<2x10240x128xf32, #tpu.memory_space<hbm>>, %arg6: memref<79x128xi32, #tpu.memory_space<vmem>>, %arg7: memref<79x128xi32, #tpu.memory_space<vmem>>, %arg8: memref<128x128xf32, #tpu.memory_space<vmem>>, %arg9: memref<10240x128xf32, #tpu.memory_space<vmem_shared>>, %arg10: memref<!tpu.dma_semaphore, #tpu.memory_space<semaphore_mem>>) attributes {dimension_semantics = [#tpu.dimension_semantics<core_parallel>, #tpu.dimension_semantics<subcore_parallel>], iteration_bounds = array<i64: 2, 16>, scalar_prefetch = 0 : i64, scratch_operands = 5 : i64, tpu.core_type = #tpu.core_type<sc_vector_subcore>, window_params = [{transform_indices = #map}, {transform_indices = #map1}, {transform_indices = #map1}, {transform_indices = #map1}]} {
    %mul3A = arith.constant 16 : i32
    %mul3A_0 = arith.muli %arg0, %mul3A : i32
    %add3A = arith.addi %mul3A_0, %arg1 : i32
    %broadcast_in_dim3A = arith.constant 0.000000e+00 : f32
    %broadcast_in_dim3A_1 = vector.broadcast %broadcast_in_dim3A : f32 to vector<16xf32>
    %scan3A = arith.constant 0 : i32
    %scan3A_2 = arith.constant 128 : i32
    %scan3A_3 = arith.addi %scan3A, %scan3A_2 : i32
    %scan3A_4 = arith.constant 1 : i32
    scf.for %scan3A_19 = %scan3A to %scan3A_3 step %scan3A_4  : i32 {
      %mul3A_20 = arith.constant 1 : i32
      %mul3A_21 = arith.muli %scan3A_19, %mul3A_20 : i32
      %add3A_22 = arith.constant 0 : i32
      %add3A_23 = arith.addi %add3A_22, %mul3A_21 : i32
      %swap3A = arith.index_cast %add3A_23 : i32 to index
      %swap3A_24 = arith.constant 0 : index
      %swap3A_25 = tpu.vector_load %arg8[%swap3A, %swap3A_24] {strides = array<i32>} : memref<128x128xf32, #tpu.memory_space<vmem>>, vector<1x16xf32>,
      %swap3A_26 = vector.shape_cast %swap3A_25 : vector<1x16xf32> to vector<16xf32>
      %swap3A_27 = vector.shape_cast %broadcast_in_dim3A_1 : vector<16xf32> to vector<1x16xf32>
      tpu.vector_store %arg8[%swap3A, %swap3A_24], %swap3A_27 {strides = array<i32>} : memref<128x128xf32, #tpu.memory_space<vmem>>, vector<1x16xf32>,
      %swap3A_28 = arith.index_cast %add3A_23 : i32 to index
      %swap3A_29 = arith.constant 16 : index
      %swap3A_30 = tpu.vector_load %arg8[%swap3A_28, %swap3A_29] {strides = array<i32>} : memref<128x128xf32, #tpu.memory_space<vmem>>, vector<1x16xf32>,
      %swap3A_31 = vector.shape_cast %swap3A_30 : vector<1x16xf32> to vector<16xf32>
      %swap3A_32 = vector.shape_cast %broadcast_in_dim3A_1 : vector<16xf32> to vector<1x16xf32>
      tpu.vector_store %arg8[%swap3A_28, %swap3A_29], %swap3A_32 {strides = array<i32>} : memref<128x128xf32, #tpu.memory_space<vmem>>, vector<1x16xf32>,
      %swap3A_33 = arith.index_cast %add3A_23 : i32 to index
      %swap3A_34 = arith.constant 32 : index
      %swap3A_35 = tpu.vector_load %arg8[%swap3A_33, %swap3A_34] {strides = array<i32>} : memref<128x128xf32, #tpu.memory_space<vmem>>, vector<1x16xf32>,
      %swap3A_36 = vector.shape_cast %swap3A_35 : vector<1x16xf32> to vector<16xf32>
      %swap3A_37 = vector.shape_cast %broadcast_in_dim3A_1 : vector<16xf32> to vector<1x16xf32>
      tpu.vector_store %arg8[%swap3A_33, %swap3A_34], %swap3A_37 {strides = array<i32>} : memref<128x128xf32, #tpu.memory_space<vmem>>, vector<1x16xf32>,
      %swap3A_38 = arith.index_cast %add3A_23 : i32 to index
      %swap3A_39 = arith.constant 48 : index
      %swap3A_40 = tpu.vector_load %arg8[%swap3A_38, %swap3A_39] {strides = array<i32>} : memref<128x128xf32, #tpu.memory_space<vmem>>, vector<1x16xf32>,
      %swap3A_41 = vector.shape_cast %swap3A_40 : vector<1x16xf32> to vector<16xf32>
      %swap3A_42 = vector.shape_cast %broadcast_in_dim3A_1 : vector<16xf32> to vector<1x16xf32>
      tpu.vector_store %arg8[%swap3A_38, %swap3A_39], %swap3A_42 {strides = array<i32>} : memref<128x128xf32, #tpu.memory_space<vmem>>, vector<1x16xf32>,
      %swap3A_43 = arith.index_cast %add3A_23 : i32 to index
      %swap3A_44 = arith.constant 64 : index
      %swap3A_45 = tpu.vector_load %arg8[%swap3A_43, %swap3A_44] {strides = array<i32>} : memref<128x128xf32, #tpu.memory_space<vmem>>, vector<1x16xf32>,
      %swap3A_46 = vector.shape_cast %swap3A_45 : vector<1x16xf32> to vector<16xf32>
      %swap3A_47 = vector.shape_cast %broadcast_in_dim3A_1 : vector<16xf32> to vector<1x16xf32>
      tpu.vector_store %arg8[%swap3A_43, %swap3A_44], %swap3A_47 {strides = array<i32>} : memref<128x128xf32, #tpu.memory_space<vmem>>, vector<1x16xf32>,
      %swap3A_48 = arith.index_cast %add3A_23 : i32 to index
      %swap3A_49 = arith.constant 80 : index
      %swap3A_50 = tpu.vector_load %arg8[%swap3A_48, %swap3A_49] {strides = array<i32>} : memref<128x128xf32, #tpu.memory_space<vmem>>, vector<1x16xf32>,
      %swap3A_51 = vector.shape_cast %swap3A_50 : vector<1x16xf32> to vector<16xf32>
      %swap3A_52 = vector.shape_cast %broadcast_in_dim3A_1 : vector<16xf32> to vector<1x16xf32>
      tpu.vector_store %arg8[%swap3A_48, %swap3A_49], %swap3A_52 {strides = array<i32>} : memref<128x128xf32, #tpu.memory_space<vmem>>, vector<1x16xf32>,
      %swap3A_53 = arith.index_cast %add3A_23 : i32 to index
      %swap3A_54 = arith.constant 96 : index
      %swap3A_55 = tpu.vector_load %arg8[%swap3A_53, %swap3A_54] {strides = array<i32>} : memref<128x128xf32, #tpu.memory_space<vmem>>, vector<1x16xf32>,
      %swap3A_56 = vector.shape_cast %swap3A_55 : vector<1x16xf32> to vector<16xf32>
      %swap3A_57 = vector.shape_cast %broadcast_in_dim3A_1 : vector<16xf32> to vector<1x16xf32>
      tpu.vector_store %arg8[%swap3A_53, %swap3A_54], %swap3A_57 {strides = array<i32>} : memref<128x128xf32, #tpu.memory_space<vmem>>, vector<1x16xf32>,
      %swap3A_58 = arith.index_cast %add3A_23 : i32 to index
      %swap3A_59 = arith.constant 112 : index
      %swap3A_60 = tpu.vector_load %arg8[%swap3A_58, %swap3A_59] {strides = array<i32>} : memref<128x128xf32, #tpu.memory_space<vmem>>, vector<1x16xf32>,
      %swap3A_61 = vector.shape_cast %swap3A_60 : vector<1x16xf32> to vector<16xf32>
      %swap3A_62 = vector.shape_cast %broadcast_in_dim3A_1 : vector<16xf32> to vector<1x16xf32>
      tpu.vector_store %arg8[%swap3A_58, %swap3A_59], %swap3A_62 {strides = array<i32>} : memref<128x128xf32, #tpu.memory_space<vmem>>, vector<1x16xf32>,
    }
    %scan3A_5 = arith.constant 128 : i32
    %mul3A_6 = arith.constant 640 : i32
    %mul3A_7 = arith.muli %arg1, %mul3A_6 : i32
    %scan3A_8 = arith.constant 0 : i32
    %scan3A_9 = arith.constant 5 : i32
    %scan3A_10 = arith.addi %scan3A_8, %scan3A_9 : i32
    %scan3A_11 = arith.constant 1 : i32
    scf.for %scan3A_19 = %scan3A_8 to %scan3A_10 step %scan3A_11  : i32 {
      %mul3A_20 = arith.constant 1 : i32
      %mul3A_21 = arith.muli %scan3A_19, %mul3A_20 : i32
      %add3A_22 = arith.constant 0 : i32
      %add3A_23 = arith.addi %add3A_22, %mul3A_21 : i32
      %mul3A_24 = arith.constant 128 : i32
      %mul3A_25 = arith.muli %add3A_23, %mul3A_24 : i32
      %add3A_26 = arith.addi %mul3A_7, %mul3A_25 : i32
      "tpu.region"() ({
        %run_scoped3A = tpu.sem_alloc : memref<!tpu.dma_semaphore, #tpu.memory_space<semaphore_mem>>
        %dma_start3A = arith.constant 0 : i32
        %dma_start3A_27 = tpu.memref_slice %arg9[%add3A_26, %dma_start3A] : memref<10240x128xf32, #tpu.memory_space<vmem_shared>> -> memref<128x128xf32, #tpu.memory_space<vmem_shared>>
        %dma_start3A_28 = arith.constant 0 : i32
        %dma_start3A_29 = tpu.memref_slice %arg9[%add3A_26, %dma_start3A_28] : memref<10240x128xf32, #tpu.memory_space<vmem_shared>> -> memref<128x128xf32, #tpu.memory_space<vmem_shared>>
        tpu.enqueue_dma source(%arg8 : memref<128x128xf32, #tpu.memory_space<vmem>>) target(%dma_start3A_29 : memref<128x128xf32, #tpu.memory_space<vmem_shared>>) target_semaphore(%run_scoped3A : memref<!tpu.dma_semaphore, #tpu.memory_space<semaphore_mem>>)
        %dma_wait3A = arith.constant 0 : i32
        %dma_wait3A_30 = tpu.memref_slice %arg9[%add3A_26, %dma_wait3A] : memref<10240x128xf32, #tpu.memory_space<vmem_shared>> -> memref<128x128xf32, #tpu.memory_space<vmem_shared>>
        %dma_wait3A_31 = arith.constant 0 : i32
        %dma_wait3A_32 = tpu.memref_slice %arg9[%add3A_26, %dma_wait3A_31] : memref<10240x128xf32, #tpu.memory_space<vmem_shared>> -> memref<128x128xf32, #tpu.memory_space<vmem_shared>>
        tpu.wait_dma2 semaphore(%run_scoped3A : memref<!tpu.dma_semaphore, #tpu.memory_space<semaphore_mem>>) src(%arg8 : memref<128x128xf32, #tpu.memory_space<vmem>>) dst(%dma_wait3A_32 : memref<128x128xf32, #tpu.memory_space<vmem_shared>>)
        tpu.yield
      }) : () -> ()
    }
    %scan3A_12 = arith.constant 5 : i32
    "tpu.region"() ({
      %run_scoped3A = tpu.sem_alloc : memref<!tpu.dma_semaphore, #tpu.memory_space<semaphore_mem>>
      %dma_start3A = arith.constant 0 : i32
      %dma_start3A_19 = arith.constant 0 : i32
      %dma_start3A_20 = tpu.memref_slice %arg3[%add3A, %dma_start3A, %dma_start3A_19] : memref<32x79x128xi32, #tpu.memory_space<hbm>> -> memref<1x79x128xi32, #tpu.memory_space<hbm>>
      %dma_start3A_21 = tpu.memref_squeeze %dma_start3A_20 : memref<1x79x128xi32, #tpu.memory_space<hbm>> -> memref<79x128xi32, #tpu.memory_space<hbm>>
      %dma_start3A_22 = arith.constant 0 : i32
      %dma_start3A_23 = arith.constant 0 : i32
      %dma_start3A_24 = tpu.memref_slice %arg3[%add3A, %dma_start3A_22, %dma_start3A_23] : memref<32x79x128xi32, #tpu.memory_space<hbm>> -> memref<1x79x128xi32, #tpu.memory_space<hbm>>
      %dma_start3A_25 = tpu.memref_squeeze %dma_start3A_24 : memref<1x79x128xi32, #tpu.memory_space<hbm>> -> memref<79x128xi32, #tpu.memory_space<hbm>>
      tpu.enqueue_dma source(%dma_start3A_25 : memref<79x128xi32, #tpu.memory_space<hbm>>) target(%arg6 : memref<79x128xi32, #tpu.memory_space<vmem>>) target_semaphore(%run_scoped3A : memref<!tpu.dma_semaphore, #tpu.memory_space<semaphore_mem>>)
      %dma_wait3A = arith.constant 0 : i32
      %dma_wait3A_26 = arith.constant 0 : i32
      %dma_wait3A_27 = tpu.memref_slice %arg3[%add3A, %dma_wait3A, %dma_wait3A_26] : memref<32x79x128xi32, #tpu.memory_space<hbm>> -> memref<1x79x128xi32, #tpu.memory_space<hbm>>
      %dma_wait3A_28 = tpu.memref_squeeze %dma_wait3A_27 : memref<1x79x128xi32, #tpu.memory_space<hbm>> -> memref<79x128xi32, #tpu.memory_space<hbm>>
      %dma_wait3A_29 = arith.constant 0 : i32
      %dma_wait3A_30 = arith.constant 0 : i32
      %dma_wait3A_31 = tpu.memref_slice %arg3[%add3A, %dma_wait3A_29, %dma_wait3A_30] : memref<32x79x128xi32, #tpu.memory_space<hbm>> -> memref<1x79x128xi32, #tpu.memory_space<hbm>>
      %dma_wait3A_32 = tpu.memref_squeeze %dma_wait3A_31 : memref<1x79x128xi32, #tpu.memory_space<hbm>> -> memref<79x128xi32, #tpu.memory_space<hbm>>
      tpu.wait_dma2 semaphore(%run_scoped3A : memref<!tpu.dma_semaphore, #tpu.memory_space<semaphore_mem>>) src(%dma_wait3A_32 : memref<79x128xi32, #tpu.memory_space<hbm>>) dst(%arg6 : memref<79x128xi32, #tpu.memory_space<vmem>>)
      tpu.yield
    }) : () -> ()
    "tpu.region"() ({
      %run_scoped3A = tpu.sem_alloc : memref<!tpu.dma_semaphore, #tpu.memory_space<semaphore_mem>>
      %dma_start3A = arith.constant 0 : i32
      %dma_start3A_19 = arith.constant 0 : i32
      %dma_start3A_20 = tpu.memref_slice %arg4[%add3A, %dma_start3A, %dma_start3A_19] : memref<32x79x128xi32, #tpu.memory_space<hbm>> -> memref<1x79x128xi32, #tpu.memory_space<hbm>>
      %dma_start3A_21 = tpu.memref_squeeze %dma_start3A_20 : memref<1x79x128xi32, #tpu.memory_space<hbm>> -> memref<79x128xi32, #tpu.memory_space<hbm>>
      %dma_start3A_22 = arith.constant 0 : i32
      %dma_start3A_23 = arith.constant 0 : i32
      %dma_start3A_24 = tpu.memref_slice %arg4[%add3A, %dma_start3A_22, %dma_start3A_23] : memref<32x79x128xi32, #tpu.memory_space<hbm>> -> memref<1x79x128xi32, #tpu.memory_space<hbm>>
      %dma_start3A_25 = tpu.memref_squeeze %dma_start3A_24 : memref<1x79x128xi32, #tpu.memory_space<hbm>> -> memref<79x128xi32, #tpu.memory_space<hbm>>
      tpu.enqueue_dma source(%dma_start3A_25 : memref<79x128xi32, #tpu.memory_space<hbm>>) target(%arg7 : memref<79x128xi32, #tpu.memory_space<vmem>>) target_semaphore(%run_scoped3A : memref<!tpu.dma_semaphore, #tpu.memory_space<semaphore_mem>>)
      %dma_wait3A = arith.constant 0 : i32
      %dma_wait3A_26 = arith.constant 0 : i32
      %dma_wait3A_27 = tpu.memref_slice %arg4[%add3A, %dma_wait3A, %dma_wait3A_26] : memref<32x79x128xi32, #tpu.memory_space<hbm>> -> memref<1x79x128xi32, #tpu.memory_space<hbm>>
      %dma_wait3A_28 = tpu.memref_squeeze %dma_wait3A_27 : memref<1x79x128xi32, #tpu.memory_space<hbm>> -> memref<79x128xi32, #tpu.memory_space<hbm>>
      %dma_wait3A_29 = arith.constant 0 : i32
      %dma_wait3A_30 = arith.constant 0 : i32
      %dma_wait3A_31 = tpu.memref_slice %arg4[%add3A, %dma_wait3A_29, %dma_wait3A_30] : memref<32x79x128xi32, #tpu.memory_space<hbm>> -> memref<1x79x128xi32, #tpu.memory_space<hbm>>
      %dma_wait3A_32 = tpu.memref_squeeze %dma_wait3A_31 : memref<1x79x128xi32, #tpu.memory_space<hbm>> -> memref<79x128xi32, #tpu.memory_space<hbm>>
      tpu.wait_dma2 semaphore(%run_scoped3A : memref<!tpu.dma_semaphore, #tpu.memory_space<semaphore_mem>>) src(%dma_wait3A_32 : memref<79x128xi32, #tpu.memory_space<hbm>>) dst(%arg7 : memref<79x128xi32, #tpu.memory_space<vmem>>)
      tpu.yield
    }) : () -> ()
    %barrier3A = arith.constant 0 : index
    tpu.barrier barrier_id(%barrier3A)
    %scan3A_13 = arith.constant 0 : i32
    %scan3A_14 = arith.constant 79 : i32
    %scan3A_15 = arith.addi %scan3A_13, %scan3A_14 : i32
    %scan3A_16 = arith.constant 1 : i32
    scf.for %scan3A_19 = %scan3A_13 to %scan3A_15 step %scan3A_16  : i32 {
      %mul3A_20 = arith.constant 1 : i32
      %mul3A_21 = arith.muli %scan3A_19, %mul3A_20 : i32
      %add3A_22 = arith.constant 0 : i32
      %add3A_23 = arith.addi %add3A_22, %mul3A_21 : i32
      %dma_start3A = arith.constant 0 : i32
      %dma_start3A_24 = tpu.memref_slice %arg6[%add3A_23, %dma_start3A] : memref<79x128xi32, #tpu.memory_space<vmem>> -> memref<1x128xi32, #tpu.memory_space<vmem>>
      %dma_start3A_25 = tpu.memref_squeeze %dma_start3A_24 : memref<1x128xi32, #tpu.memory_space<vmem>> -> memref<128xi32, #tpu.memory_space<vmem>>
      %dma_start3A_26 = arith.constant 0 : i32
      %dma_start3A_27 = arith.constant 0 : i32
      %dma_start3A_28 = tpu.memref_slice %arg2[%dma_start3A_26, %dma_start3A_27] : memref<10000x128xf32, #tpu.memory_space<hbm>> -> memref<10000x128xf32, #tpu.memory_space<hbm>>
      tpu.enqueue_indirect_dma source(%dma_start3A_28 : memref<10000x128xf32, #tpu.memory_space<hbm>>) target(%arg8 : memref<128x128xf32, #tpu.memory_space<vmem>>) offsets(%dma_start3A_25 : memref<128xi32, #tpu.memory_space<vmem>>) semaphore(%arg10 : memref<!tpu.dma_semaphore, #tpu.memory_space<semaphore_mem>>)
      %dma_wait3A = arith.constant 0 : i32
      %dma_wait3A_29 = tpu.memref_slice %arg6[%add3A_23, %dma_wait3A] : memref<79x128xi32, #tpu.memory_space<vmem>> -> memref<1x128xi32, #tpu.memory_space<vmem>>
      %dma_wait3A_30 = tpu.memref_squeeze %dma_wait3A_29 : memref<1x128xi32, #tpu.memory_space<vmem>> -> memref<128xi32, #tpu.memory_space<vmem>>
      %dma_wait3A_31 = arith.constant 0 : i32
      %dma_wait3A_32 = arith.constant 0 : i32
      %dma_wait3A_33 = tpu.memref_slice %arg2[%dma_wait3A_31, %dma_wait3A_32] : memref<10000x128xf32, #tpu.memory_space<hbm>> -> memref<10000x128xf32, #tpu.memory_space<hbm>>
      tpu.wait_indirect_dma semaphore(%arg10 : memref<!tpu.dma_semaphore, #tpu.memory_space<semaphore_mem>>) src(%dma_wait3A_33 : memref<10000x128xf32, #tpu.memory_space<hbm>>) dst(%arg8 : memref<128x128xf32, #tpu.memory_space<vmem>>)
      "tpu.region"() ({
        %run_scoped3A = tpu.sem_alloc : memref<!tpu.dma_semaphore, #tpu.memory_space<semaphore_mem>>
        %dma_start3A_34 = arith.constant 0 : i32
        %dma_start3A_35 = tpu.memref_slice %arg7[%add3A_23, %dma_start3A_34] : memref<79x128xi32, #tpu.memory_space<vmem>> -> memref<1x128xi32, #tpu.memory_space<vmem>>
        %dma_start3A_36 = tpu.memref_squeeze %dma_start3A_35 : memref<1x128xi32, #tpu.memory_space<vmem>> -> memref<128xi32, #tpu.memory_space<vmem>>
        %dma_start3A_37 = arith.constant 0 : i32
        %dma_start3A_38 = arith.constant 0 : i32
        %dma_start3A_39 = tpu.memref_slice %arg9[%dma_start3A_37, %dma_start3A_38] : memref<10240x128xf32, #tpu.memory_space<vmem_shared>> -> memref<10240x128xf32, #tpu.memory_space<vmem_shared>>
        tpu.enqueue_indirect_dma source(%arg8 : memref<128x128xf32, #tpu.memory_space<vmem>>) target(%dma_start3A_39 : memref<10240x128xf32, #tpu.memory_space<vmem_shared>>) offsets(%dma_start3A_36 : memref<128xi32, #tpu.memory_space<vmem>>) semaphore(%run_scoped3A : memref<!tpu.dma_semaphore, #tpu.memory_space<semaphore_mem>>) {add = true}
        %dma_wait3A_40 = arith.constant 0 : i32
        %dma_wait3A_41 = tpu.memref_slice %arg7[%add3A_23, %dma_wait3A_40] : memref<79x128xi32, #tpu.memory_space<vmem>> -> memref<1x128xi32, #tpu.memory_space<vmem>>
        %dma_wait3A_42 = tpu.memref_squeeze %dma_wait3A_41 : memref<1x128xi32, #tpu.memory_space<vmem>> -> memref<128xi32, #tpu.memory_space<vmem>>
        %dma_wait3A_43 = arith.constant 0 : i32
        %dma_wait3A_44 = arith.constant 0 : i32
        %dma_wait3A_45 = tpu.memref_slice %arg9[%dma_wait3A_43, %dma_wait3A_44] : memref<10240x128xf32, #tpu.memory_space<vmem_shared>> -> memref<10240x128xf32, #tpu.memory_space<vmem_shared>>
        tpu.wait_indirect_dma semaphore(%run_scoped3A : memref<!tpu.dma_semaphore, #tpu.memory_space<semaphore_mem>>) src(%arg8 : memref<128x128xf32, #tpu.memory_space<vmem>>) dst(%dma_wait3A_45 : memref<10240x128xf32, #tpu.memory_space<vmem_shared>>)
        tpu.yield
      }) : () -> ()
    }
    %scan3A_17 = arith.constant 79 : i32
    %barrier3A_18 = arith.constant 0 : index
    tpu.barrier barrier_id(%barrier3A_18)
    "tpu.region"() ({
      %run_scoped3A = tpu.sem_alloc : memref<!tpu.dma_semaphore, #tpu.memory_space<semaphore_mem>>
      %dma_start3A = arith.constant 0 : i32
      %dma_start3A_19 = tpu.memref_slice %arg5[%arg0, %mul3A_7, %dma_start3A] : memref<2x10240x128xf32, #tpu.memory_space<hbm>> -> memref<1x640x128xf32, #tpu.memory_space<hbm>>
      %dma_start3A_20 = tpu.memref_squeeze %dma_start3A_19 : memref<1x640x128xf32, #tpu.memory_space<hbm>> -> memref<640x128xf32, #tpu.memory_space<hbm>>
      %dma_start3A_21 = arith.constant 0 : i32
      %dma_start3A_22 = tpu.memref_slice %arg9[%mul3A_7, %dma_start3A_21] : memref<10240x128xf32, #tpu.memory_space<vmem_shared>> -> memref<640x128xf32, #tpu.memory_space<vmem_shared>>
      tpu.enqueue_dma source(%dma_start3A_22 : memref<640x128xf32, #tpu.memory_space<vmem_shared>>) target(%dma_start3A_20 : memref<640x128xf32, #tpu.memory_space<hbm>>) target_semaphore(%run_scoped3A : memref<!tpu.dma_semaphore, #tpu.memory_space<semaphore_mem>>)
      %dma_wait3A = arith.constant 0 : i32
      %dma_wait3A_23 = tpu.memref_slice %arg5[%arg0, %mul3A_7, %dma_wait3A] : memref<2x10240x128xf32, #tpu.memory_space<hbm>> -> memref<1x640x128xf32, #tpu.memory_space<hbm>>
      %dma_wait3A_24 = tpu.memref_squeeze %dma_wait3A_23 : memref<1x640x128xf32, #tpu.memory_space<hbm>> -> memref<640x128xf32, #tpu.memory_space<hbm>>
      %dma_wait3A_25 = arith.constant 0 : i32
      %dma_wait3A_26 = tpu.memref_slice %arg9[%mul3A_7, %dma_wait3A_25] : memref<10240x128xf32, #tpu.memory_space<vmem_shared>> -> memref<640x128xf32, #tpu.memory_space<vmem_shared>>
      tpu.wait_dma2 semaphore(%run_scoped3A : memref<!tpu.dma_semaphore, #tpu.memory_space<semaphore_mem>>) src(%dma_wait3A_26 : memref<640x128xf32, #tpu.memory_space<vmem_shared>>) dst(%dma_wait3A_24 : memref<640x128xf32, #tpu.memory_space<hbm>>)
      tpu.yield
    }) : () -> ()
    return
  }
}

#map = affine_map<(d0, d1) -> (0, 0)>
#map1 = affine_map<(d0, d1) -> (0, 0, 0)>
module attributes {stable_mosaic.version = 14 : i64} {
  func.func @body(%arg0: i32, %arg1: i32, %arg2: memref<10000x144xf32, #tpu.memory_space<hbm>>, %arg3: memref<32x79x128xi32, #tpu.memory_space<hbm>>, %arg4: memref<32x79x128xi32, #tpu.memory_space<hbm>>, %arg5: memref<2x10240x144xf32, #tpu.memory_space<hbm>>, %arg6: memref<79x128xi32, #tpu.memory_space<vmem>>, %arg7: memref<79x128xi32, #tpu.memory_space<vmem>>, %arg8: memref<128x144xf32, #tpu.memory_space<vmem>>, %arg9: memref<10240x144xf32, #tpu.memory_space<vmem_shared>>, %arg10: memref<!tpu.dma_semaphore, #tpu.memory_space<semaphore_mem>>) attributes {dimension_semantics = [#tpu.dimension_semantics<core_parallel>, #tpu.dimension_semantics<subcore_parallel>], iteration_bounds = array<i64: 2, 16>, scalar_prefetch = 0 : i64, scratch_operands = 5 : i64, tpu.core_type = #tpu.core_type<sc_vector_subcore>, window_params = [{transform_indices = #map}, {transform_indices = #map1}, {transform_indices = #map1}, {transform_indices = #map1}]} {
    %mul3A = arith.constant 16 : i32
    %mul3A_0 = arith.muli %arg0, %mul3A : i32
    %add3A = arith.addi %mul3A_0, %arg1 : i32
    %broadcast_in_dim3A = arith.constant 0.000000e+00 : f32
    %broadcast_in_dim3A_1 = vector.broadcast %broadcast_in_dim3A : f32 to vector<16xf32>
    %scan3A = arith.constant 0 : i32
    %scan3A_2 = arith.constant 128 : i32
    %scan3A_3 = arith.addi %scan3A, %scan3A_2 : i32
    %scan3A_4 = arith.constant 1 : i32
    scf.for %scan3A_19 = %scan3A to %scan3A_3 step %scan3A_4  : i32 {
      %mul3A_20 = arith.constant 1 : i32
      %mul3A_21 = arith.muli %scan3A_19, %mul3A_20 : i32
      %add3A_22 = arith.constant 0 : i32
      %add3A_23 = arith.addi %add3A_22, %mul3A_21 : i32
      %swap3A = arith.index_cast %add3A_23 : i32 to index
      %swap3A_24 = arith.constant 0 : index
      %swap3A_25 = tpu.vector_load %arg8[%swap3A, %swap3A_24] {strides = array<i32>} : memref<128x144xf32, #tpu.memory_space<vmem>>, vector<1x16xf32>,
      %swap3A_26 = vector.shape_cast %swap3A_25 : vector<1x16xf32> to vector<16xf32>
      %swap3A_27 = vector.shape_cast %broadcast_in_dim3A_1 : vector<16xf32> to vector<1x16xf32>
      tpu.vector_store %arg8[%swap3A, %swap3A_24], %swap3A_27 {strides = array<i32>} : memref<128x144xf32, #tpu.memory_space<vmem>>, vector<1x16xf32>,
      %swap3A_28 = arith.index_cast %add3A_23 : i32 to index
      %swap3A_29 = arith.constant 16 : index
      %swap3A_30 = tpu.vector_load %arg8[%swap3A_28, %swap3A_29] {strides = array<i32>} : memref<128x144xf32, #tpu.memory_space<vmem>>, vector<1x16xf32>,
      %swap3A_31 = vector.shape_cast %swap3A_30 : vector<1x16xf32> to vector<16xf32>
      %swap3A_32 = vector.shape_cast %broadcast_in_dim3A_1 : vector<16xf32> to vector<1x16xf32>
      tpu.vector_store %arg8[%swap3A_28, %swap3A_29], %swap3A_32 {strides = array<i32>} : memref<128x144xf32, #tpu.memory_space<vmem>>, vector<1x16xf32>,
      %swap3A_33 = arith.index_cast %add3A_23 : i32 to index
      %swap3A_34 = arith.constant 32 : index
      %swap3A_35 = tpu.vector_load %arg8[%swap3A_33, %swap3A_34] {strides = array<i32>} : memref<128x144xf32, #tpu.memory_space<vmem>>, vector<1x16xf32>,
      %swap3A_36 = vector.shape_cast %swap3A_35 : vector<1x16xf32> to vector<16xf32>
      %swap3A_37 = vector.shape_cast %broadcast_in_dim3A_1 : vector<16xf32> to vector<1x16xf32>
      tpu.vector_store %arg8[%swap3A_33, %swap3A_34], %swap3A_37 {strides = array<i32>} : memref<128x144xf32, #tpu.memory_space<vmem>>, vector<1x16xf32>,
      %swap3A_38 = arith.index_cast %add3A_23 : i32 to index
      %swap3A_39 = arith.constant 48 : index
      %swap3A_40 = tpu.vector_load %arg8[%swap3A_38, %swap3A_39] {strides = array<i32>} : memref<128x144xf32, #tpu.memory_space<vmem>>, vector<1x16xf32>,
      %swap3A_41 = vector.shape_cast %swap3A_40 : vector<1x16xf32> to vector<16xf32>
      %swap3A_42 = vector.shape_cast %broadcast_in_dim3A_1 : vector<16xf32> to vector<1x16xf32>
      tpu.vector_store %arg8[%swap3A_38, %swap3A_39], %swap3A_42 {strides = array<i32>} : memref<128x144xf32, #tpu.memory_space<vmem>>, vector<1x16xf32>,
      %swap3A_43 = arith.index_cast %add3A_23 : i32 to index
      %swap3A_44 = arith.constant 64 : index
      %swap3A_45 = tpu.vector_load %arg8[%swap3A_43, %swap3A_44] {strides = array<i32>} : memref<128x144xf32, #tpu.memory_space<vmem>>, vector<1x16xf32>,
      %swap3A_46 = vector.shape_cast %swap3A_45 : vector<1x16xf32> to vector<16xf32>
      %swap3A_47 = vector.shape_cast %broadcast_in_dim3A_1 : vector<16xf32> to vector<1x16xf32>
      tpu.vector_store %arg8[%swap3A_43, %swap3A_44], %swap3A_47 {strides = array<i32>} : memref<128x144xf32, #tpu.memory_space<vmem>>, vector<1x16xf32>,
      %swap3A_48 = arith.index_cast %add3A_23 : i32 to index
      %swap3A_49 = arith.constant 80 : index
      %swap3A_50 = tpu.vector_load %arg8[%swap3A_48, %swap3A_49] {strides = array<i32>} : memref<128x144xf32, #tpu.memory_space<vmem>>, vector<1x16xf32>,
      %swap3A_51 = vector.shape_cast %swap3A_50 : vector<1x16xf32> to vector<16xf32>
      %swap3A_52 = vector.shape_cast %broadcast_in_dim3A_1 : vector<16xf32> to vector<1x16xf32>
      tpu.vector_store %arg8[%swap3A_48, %swap3A_49], %swap3A_52 {strides = array<i32>} : memref<128x144xf32, #tpu.memory_space<vmem>>, vector<1x16xf32>,
      %swap3A_53 = arith.index_cast %add3A_23 : i32 to index
      %swap3A_54 = arith.constant 96 : index
      %swap3A_55 = tpu.vector_load %arg8[%swap3A_53, %swap3A_54] {strides = array<i32>} : memref<128x144xf32, #tpu.memory_space<vmem>>, vector<1x16xf32>,
      %swap3A_56 = vector.shape_cast %swap3A_55 : vector<1x16xf32> to vector<16xf32>
      %swap3A_57 = vector.shape_cast %broadcast_in_dim3A_1 : vector<16xf32> to vector<1x16xf32>
      tpu.vector_store %arg8[%swap3A_53, %swap3A_54], %swap3A_57 {strides = array<i32>} : memref<128x144xf32, #tpu.memory_space<vmem>>, vector<1x16xf32>,
      %swap3A_58 = arith.index_cast %add3A_23 : i32 to index
      %swap3A_59 = arith.constant 112 : index
      %swap3A_60 = tpu.vector_load %arg8[%swap3A_58, %swap3A_59] {strides = array<i32>} : memref<128x144xf32, #tpu.memory_space<vmem>>, vector<1x16xf32>,
      %swap3A_61 = vector.shape_cast %swap3A_60 : vector<1x16xf32> to vector<16xf32>
      %swap3A_62 = vector.shape_cast %broadcast_in_dim3A_1 : vector<16xf32> to vector<1x16xf32>
      tpu.vector_store %arg8[%swap3A_58, %swap3A_59], %swap3A_62 {strides = array<i32>} : memref<128x144xf32, #tpu.memory_space<vmem>>, vector<1x16xf32>,
      %swap3A_63 = arith.index_cast %add3A_23 : i32 to index
      %swap3A_64 = arith.constant 128 : index
      %swap3A_65 = tpu.vector_load %arg8[%swap3A_63, %swap3A_64] {strides = array<i32>} : memref<128x144xf32, #tpu.memory_space<vmem>>, vector<1x16xf32>,
      %swap3A_66 = vector.shape_cast %swap3A_65 : vector<1x16xf32> to vector<16xf32>
      %swap3A_67 = vector.shape_cast %broadcast_in_dim3A_1 : vector<16xf32> to vector<1x16xf32>
      tpu.vector_store %arg8[%swap3A_63, %swap3A_64], %swap3A_67 {strides = array<i32>} : memref<128x144xf32, #tpu.memory_space<vmem>>, vector<1x16xf32>,
    }
    %scan3A_5 = arith.constant 128 : i32
    %mul3A_6 = arith.constant 640 : i32
    %mul3A_7 = arith.muli %arg1, %mul3A_6 : i32
    %scan3A_8 = arith.constant 0 : i32
    %scan3A_9 = arith.constant 5 : i32
    %scan3A_10 = arith.addi %scan3A_8, %scan3A_9 : i32
    %scan3A_11 = arith.constant 1 : i32
    scf.for %scan3A_19 = %scan3A_8 to %scan3A_10 step %scan3A_11  : i32 {
      %mul3A_20 = arith.constant 1 : i32
      %mul3A_21 = arith.muli %scan3A_19, %mul3A_20 : i32
      %add3A_22 = arith.constant 0 : i32
      %add3A_23 = arith.addi %add3A_22, %mul3A_21 : i32
      %mul3A_24 = arith.constant 128 : i32
      %mul3A_25 = arith.muli %add3A_23, %mul3A_24 : i32
      %add3A_26 = arith.addi %mul3A_7, %mul3A_25 : i32
      "tpu.region"() ({
        %run_scoped3A = tpu.sem_alloc : memref<!tpu.dma_semaphore, #tpu.memory_space<semaphore_mem>>
        %dma_start3A = arith.constant 0 : i32
        %dma_start3A_27 = tpu.memref_slice %arg9[%add3A_26, %dma_start3A] : memref<10240x144xf32, #tpu.memory_space<vmem_shared>> -> memref<128x144xf32, #tpu.memory_space<vmem_shared>>
        %dma_start3A_28 = arith.constant 0 : i32
        %dma_start3A_29 = tpu.memref_slice %arg9[%add3A_26, %dma_start3A_28] : memref<10240x144xf32, #tpu.memory_space<vmem_shared>> -> memref<128x144xf32, #tpu.memory_space<vmem_shared>>
        tpu.enqueue_dma source(%arg8 : memref<128x144xf32, #tpu.memory_space<vmem>>) target(%dma_start3A_29 : memref<128x144xf32, #tpu.memory_space<vmem_shared>>) target_semaphore(%run_scoped3A : memref<!tpu.dma_semaphore, #tpu.memory_space<semaphore_mem>>)
        %dma_wait3A = arith.constant 0 : i32
        %dma_wait3A_30 = tpu.memref_slice %arg9[%add3A_26, %dma_wait3A] : memref<10240x144xf32, #tpu.memory_space<vmem_shared>> -> memref<128x144xf32, #tpu.memory_space<vmem_shared>>
        %dma_wait3A_31 = arith.constant 0 : i32
        %dma_wait3A_32 = tpu.memref_slice %arg9[%add3A_26, %dma_wait3A_31] : memref<10240x144xf32, #tpu.memory_space<vmem_shared>> -> memref<128x144xf32, #tpu.memory_space<vmem_shared>>
        tpu.wait_dma2 semaphore(%run_scoped3A : memref<!tpu.dma_semaphore, #tpu.memory_space<semaphore_mem>>) src(%arg8 : memref<128x144xf32, #tpu.memory_space<vmem>>) dst(%dma_wait3A_32 : memref<128x144xf32, #tpu.memory_space<vmem_shared>>)
        tpu.yield
      }) : () -> ()
    }
    %scan3A_12 = arith.constant 5 : i32
    "tpu.region"() ({
      %run_scoped3A = tpu.sem_alloc : memref<!tpu.dma_semaphore, #tpu.memory_space<semaphore_mem>>
      %dma_start3A = arith.constant 0 : i32
      %dma_start3A_19 = arith.constant 0 : i32
      %dma_start3A_20 = tpu.memref_slice %arg3[%add3A, %dma_start3A, %dma_start3A_19] : memref<32x79x128xi32, #tpu.memory_space<hbm>> -> memref<1x79x128xi32, #tpu.memory_space<hbm>>
      %dma_start3A_21 = tpu.memref_squeeze %dma_start3A_20 : memref<1x79x128xi32, #tpu.memory_space<hbm>> -> memref<79x128xi32, #tpu.memory_space<hbm>>
      %dma_start3A_22 = arith.constant 0 : i32
      %dma_start3A_23 = arith.constant 0 : i32
      %dma_start3A_24 = tpu.memref_slice %arg3[%add3A, %dma_start3A_22, %dma_start3A_23] : memref<32x79x128xi32, #tpu.memory_space<hbm>> -> memref<1x79x128xi32, #tpu.memory_space<hbm>>
      %dma_start3A_25 = tpu.memref_squeeze %dma_start3A_24 : memref<1x79x128xi32, #tpu.memory_space<hbm>> -> memref<79x128xi32, #tpu.memory_space<hbm>>
      tpu.enqueue_dma source(%dma_start3A_25 : memref<79x128xi32, #tpu.memory_space<hbm>>) target(%arg6 : memref<79x128xi32, #tpu.memory_space<vmem>>) target_semaphore(%run_scoped3A : memref<!tpu.dma_semaphore, #tpu.memory_space<semaphore_mem>>)
      %dma_wait3A = arith.constant 0 : i32
      %dma_wait3A_26 = arith.constant 0 : i32
      %dma_wait3A_27 = tpu.memref_slice %arg3[%add3A, %dma_wait3A, %dma_wait3A_26] : memref<32x79x128xi32, #tpu.memory_space<hbm>> -> memref<1x79x128xi32, #tpu.memory_space<hbm>>
      %dma_wait3A_28 = tpu.memref_squeeze %dma_wait3A_27 : memref<1x79x128xi32, #tpu.memory_space<hbm>> -> memref<79x128xi32, #tpu.memory_space<hbm>>
      %dma_wait3A_29 = arith.constant 0 : i32
      %dma_wait3A_30 = arith.constant 0 : i32
      %dma_wait3A_31 = tpu.memref_slice %arg3[%add3A, %dma_wait3A_29, %dma_wait3A_30] : memref<32x79x128xi32, #tpu.memory_space<hbm>> -> memref<1x79x128xi32, #tpu.memory_space<hbm>>
      %dma_wait3A_32 = tpu.memref_squeeze %dma_wait3A_31 : memref<1x79x128xi32, #tpu.memory_space<hbm>> -> memref<79x128xi32, #tpu.memory_space<hbm>>
      tpu.wait_dma2 semaphore(%run_scoped3A : memref<!tpu.dma_semaphore, #tpu.memory_space<semaphore_mem>>) src(%dma_wait3A_32 : memref<79x128xi32, #tpu.memory_space<hbm>>) dst(%arg6 : memref<79x128xi32, #tpu.memory_space<vmem>>)
      tpu.yield
    }) : () -> ()
    "tpu.region"() ({
      %run_scoped3A = tpu.sem_alloc : memref<!tpu.dma_semaphore, #tpu.memory_space<semaphore_mem>>
      %dma_start3A = arith.constant 0 : i32
      %dma_start3A_19 = arith.constant 0 : i32
      %dma_start3A_20 = tpu.memref_slice %arg4[%add3A, %dma_start3A, %dma_start3A_19] : memref<32x79x128xi32, #tpu.memory_space<hbm>> -> memref<1x79x128xi32, #tpu.memory_space<hbm>>
      %dma_start3A_21 = tpu.memref_squeeze %dma_start3A_20 : memref<1x79x128xi32, #tpu.memory_space<hbm>> -> memref<79x128xi32, #tpu.memory_space<hbm>>
      %dma_start3A_22 = arith.constant 0 : i32
      %dma_start3A_23 = arith.constant 0 : i32
      %dma_start3A_24 = tpu.memref_slice %arg4[%add3A, %dma_start3A_22, %dma_start3A_23] : memref<32x79x128xi32, #tpu.memory_space<hbm>> -> memref<1x79x128xi32, #tpu.memory_space<hbm>>
      %dma_start3A_25 = tpu.memref_squeeze %dma_start3A_24 : memref<1x79x128xi32, #tpu.memory_space<hbm>> -> memref<79x128xi32, #tpu.memory_space<hbm>>
      tpu.enqueue_dma source(%dma_start3A_25 : memref<79x128xi32, #tpu.memory_space<hbm>>) target(%arg7 : memref<79x128xi32, #tpu.memory_space<vmem>>) target_semaphore(%run_scoped3A : memref<!tpu.dma_semaphore, #tpu.memory_space<semaphore_mem>>)
      %dma_wait3A = arith.constant 0 : i32
      %dma_wait3A_26 = arith.constant 0 : i32
      %dma_wait3A_27 = tpu.memref_slice %arg4[%add3A, %dma_wait3A, %dma_wait3A_26] : memref<32x79x128xi32, #tpu.memory_space<hbm>> -> memref<1x79x128xi32, #tpu.memory_space<hbm>>
      %dma_wait3A_28 = tpu.memref_squeeze %dma_wait3A_27 : memref<1x79x128xi32, #tpu.memory_space<hbm>> -> memref<79x128xi32, #tpu.memory_space<hbm>>
      %dma_wait3A_29 = arith.constant 0 : i32
      %dma_wait3A_30 = arith.constant 0 : i32
      %dma_wait3A_31 = tpu.memref_slice %arg4[%add3A, %dma_wait3A_29, %dma_wait3A_30] : memref<32x79x128xi32, #tpu.memory_space<hbm>> -> memref<1x79x128xi32, #tpu.memory_space<hbm>>
      %dma_wait3A_32 = tpu.memref_squeeze %dma_wait3A_31 : memref<1x79x128xi32, #tpu.memory_space<hbm>> -> memref<79x128xi32, #tpu.memory_space<hbm>>
      tpu.wait_dma2 semaphore(%run_scoped3A : memref<!tpu.dma_semaphore, #tpu.memory_space<semaphore_mem>>) src(%dma_wait3A_32 : memref<79x128xi32, #tpu.memory_space<hbm>>) dst(%arg7 : memref<79x128xi32, #tpu.memory_space<vmem>>)
      tpu.yield
    }) : () -> ()
    %barrier3A = arith.constant 0 : index
    tpu.barrier barrier_id(%barrier3A)
    %scan3A_13 = arith.constant 0 : i32
    %scan3A_14 = arith.constant 79 : i32
    %scan3A_15 = arith.addi %scan3A_13, %scan3A_14 : i32
    %scan3A_16 = arith.constant 1 : i32
    scf.for %scan3A_19 = %scan3A_13 to %scan3A_15 step %scan3A_16  : i32 {
      %mul3A_20 = arith.constant 1 : i32
      %mul3A_21 = arith.muli %scan3A_19, %mul3A_20 : i32
      %add3A_22 = arith.constant 0 : i32
      %add3A_23 = arith.addi %add3A_22, %mul3A_21 : i32
      %dma_start3A = arith.constant 0 : i32
      %dma_start3A_24 = tpu.memref_slice %arg6[%add3A_23, %dma_start3A] : memref<79x128xi32, #tpu.memory_space<vmem>> -> memref<1x128xi32, #tpu.memory_space<vmem>>
      %dma_start3A_25 = tpu.memref_squeeze %dma_start3A_24 : memref<1x128xi32, #tpu.memory_space<vmem>> -> memref<128xi32, #tpu.memory_space<vmem>>
      %dma_start3A_26 = arith.constant 0 : i32
      %dma_start3A_27 = arith.constant 0 : i32
      %dma_start3A_28 = tpu.memref_slice %arg2[%dma_start3A_26, %dma_start3A_27] : memref<10000x144xf32, #tpu.memory_space<hbm>> -> memref<10000x144xf32, #tpu.memory_space<hbm>>
      tpu.enqueue_indirect_dma source(%dma_start3A_28 : memref<10000x144xf32, #tpu.memory_space<hbm>>) target(%arg8 : memref<128x144xf32, #tpu.memory_space<vmem>>) offsets(%dma_start3A_25 : memref<128xi32, #tpu.memory_space<vmem>>) semaphore(%arg10 : memref<!tpu.dma_semaphore, #tpu.memory_space<semaphore_mem>>)
      %dma_wait3A = arith.constant 0 : i32
      %dma_wait3A_29 = tpu.memref_slice %arg6[%add3A_23, %dma_wait3A] : memref<79x128xi32, #tpu.memory_space<vmem>> -> memref<1x128xi32, #tpu.memory_space<vmem>>
      %dma_wait3A_30 = tpu.memref_squeeze %dma_wait3A_29 : memref<1x128xi32, #tpu.memory_space<vmem>> -> memref<128xi32, #tpu.memory_space<vmem>>
      %dma_wait3A_31 = arith.constant 0 : i32
      %dma_wait3A_32 = arith.constant 0 : i32
      %dma_wait3A_33 = tpu.memref_slice %arg2[%dma_wait3A_31, %dma_wait3A_32] : memref<10000x144xf32, #tpu.memory_space<hbm>> -> memref<10000x144xf32, #tpu.memory_space<hbm>>
      tpu.wait_indirect_dma semaphore(%arg10 : memref<!tpu.dma_semaphore, #tpu.memory_space<semaphore_mem>>) src(%dma_wait3A_33 : memref<10000x144xf32, #tpu.memory_space<hbm>>) dst(%arg8 : memref<128x144xf32, #tpu.memory_space<vmem>>)
      "tpu.region"() ({
        %run_scoped3A = tpu.sem_alloc : memref<!tpu.dma_semaphore, #tpu.memory_space<semaphore_mem>>
        %dma_start3A_34 = arith.constant 0 : i32
        %dma_start3A_35 = tpu.memref_slice %arg7[%add3A_23, %dma_start3A_34] : memref<79x128xi32, #tpu.memory_space<vmem>> -> memref<1x128xi32, #tpu.memory_space<vmem>>
        %dma_start3A_36 = tpu.memref_squeeze %dma_start3A_35 : memref<1x128xi32, #tpu.memory_space<vmem>> -> memref<128xi32, #tpu.memory_space<vmem>>
        %dma_start3A_37 = arith.constant 0 : i32
        %dma_start3A_38 = arith.constant 0 : i32
        %dma_start3A_39 = tpu.memref_slice %arg9[%dma_start3A_37, %dma_start3A_38] : memref<10240x144xf32, #tpu.memory_space<vmem_shared>> -> memref<10240x144xf32, #tpu.memory_space<vmem_shared>>
        tpu.enqueue_indirect_dma source(%arg8 : memref<128x144xf32, #tpu.memory_space<vmem>>) target(%dma_start3A_39 : memref<10240x144xf32, #tpu.memory_space<vmem_shared>>) offsets(%dma_start3A_36 : memref<128xi32, #tpu.memory_space<vmem>>) semaphore(%run_scoped3A : memref<!tpu.dma_semaphore, #tpu.memory_space<semaphore_mem>>) {add = true}
        %dma_wait3A_40 = arith.constant 0 : i32
        %dma_wait3A_41 = tpu.memref_slice %arg7[%add3A_23, %dma_wait3A_40] : memref<79x128xi32, #tpu.memory_space<vmem>> -> memref<1x128xi32, #tpu.memory_space<vmem>>
        %dma_wait3A_42 = tpu.memref_squeeze %dma_wait3A_41 : memref<1x128xi32, #tpu.memory_space<vmem>> -> memref<128xi32, #tpu.memory_space<vmem>>
        %dma_wait3A_43 = arith.constant 0 : i32
        %dma_wait3A_44 = arith.constant 0 : i32
        %dma_wait3A_45 = tpu.memref_slice %arg9[%dma_wait3A_43, %dma_wait3A_44] : memref<10240x144xf32, #tpu.memory_space<vmem_shared>> -> memref<10240x144xf32, #tpu.memory_space<vmem_shared>>
        tpu.wait_indirect_dma semaphore(%run_scoped3A : memref<!tpu.dma_semaphore, #tpu.memory_space<semaphore_mem>>) src(%arg8 : memref<128x144xf32, #tpu.memory_space<vmem>>) dst(%dma_wait3A_45 : memref<10240x144xf32, #tpu.memory_space<vmem_shared>>)
        tpu.yield
      }) : () -> ()
    }
    %scan3A_17 = arith.constant 79 : i32
    %barrier3A_18 = arith.constant 0 : index
    tpu.barrier barrier_id(%barrier3A_18)
    "tpu.region"() ({
      %run_scoped3A = tpu.sem_alloc : memref<!tpu.dma_semaphore, #tpu.memory_space<semaphore_mem>>
      %dma_start3A = arith.constant 0 : i32
      %dma_start3A_19 = tpu.memref_slice %arg5[%arg0, %mul3A_7, %dma_start3A] : memref<2x10240x144xf32, #tpu.memory_space<hbm>> -> memref<1x640x144xf32, #tpu.memory_space<hbm>>
      %dma_start3A_20 = tpu.memref_squeeze %dma_start3A_19 : memref<1x640x144xf32, #tpu.memory_space<hbm>> -> memref<640x144xf32, #tpu.memory_space<hbm>>
      %dma_start3A_21 = arith.constant 0 : i32
      %dma_start3A_22 = tpu.memref_slice %arg9[%mul3A_7, %dma_start3A_21] : memref<10240x144xf32, #tpu.memory_space<vmem_shared>> -> memref<640x144xf32, #tpu.memory_space<vmem_shared>>
      tpu.enqueue_dma source(%dma_start3A_22 : memref<640x144xf32, #tpu.memory_space<vmem_shared>>) target(%dma_start3A_20 : memref<640x144xf32, #tpu.memory_space<hbm>>) target_semaphore(%run_scoped3A : memref<!tpu.dma_semaphore, #tpu.memory_space<semaphore_mem>>)
      %dma_wait3A = arith.constant 0 : i32
      %dma_wait3A_23 = tpu.memref_slice %arg5[%arg0, %mul3A_7, %dma_wait3A] : memref<2x10240x144xf32, #tpu.memory_space<hbm>> -> memref<1x640x144xf32, #tpu.memory_space<hbm>>
      %dma_wait3A_24 = tpu.memref_squeeze %dma_wait3A_23 : memref<1x640x144xf32, #tpu.memory_space<hbm>> -> memref<640x144xf32, #tpu.memory_space<hbm>>
      %dma_wait3A_25 = arith.constant 0 : i32
      %dma_wait3A_26 = tpu.memref_slice %arg9[%mul3A_7, %dma_wait3A_25] : memref<10240x144xf32, #tpu.memory_space<vmem_shared>> -> memref<640x144xf32, #tpu.memory_space<vmem_shared>>
      tpu.wait_dma2 semaphore(%run_scoped3A : memref<!tpu.dma_semaphore, #tpu.memory_space<semaphore_mem>>) src(%dma_wait3A_26 : memref<640x144xf32, #tpu.memory_space<vmem_shared>>) dst(%dma_wait3A_24 : memref<640x144xf32, #tpu.memory_space<hbm>>)
      tpu.yield
    }) : () -> ()
    return
  }
}

#map = affine_map<(d0, d1) -> (0, 0)>
#map1 = affine_map<(d0, d1) -> (0, 0, 0)>
module attributes {stable_mosaic.version = 14 : i64} {
  func.func @body(%arg0: i32, %arg1: i32, %arg2: memref<10000x48xf32, #tpu.memory_space<hbm>>, %arg3: memref<32x79x128xi32, #tpu.memory_space<hbm>>, %arg4: memref<32x79x128xi32, #tpu.memory_space<hbm>>, %arg5: memref<2x10240x48xf32, #tpu.memory_space<hbm>>, %arg6: memref<79x128xi32, #tpu.memory_space<vmem>>, %arg7: memref<79x128xi32, #tpu.memory_space<vmem>>, %arg8: memref<128x48xf32, #tpu.memory_space<vmem>>, %arg9: memref<10240x48xf32, #tpu.memory_space<vmem_shared>>, %arg10: memref<!tpu.dma_semaphore, #tpu.memory_space<semaphore_mem>>) attributes {dimension_semantics = [#tpu.dimension_semantics<core_parallel>, #tpu.dimension_semantics<subcore_parallel>], iteration_bounds = array<i64: 2, 16>, scalar_prefetch = 0 : i64, scratch_operands = 5 : i64, tpu.core_type = #tpu.core_type<sc_vector_subcore>, window_params = [{transform_indices = #map}, {transform_indices = #map1}, {transform_indices = #map1}, {transform_indices = #map1}]} {
    %mul3A = arith.constant 16 : i32
    %mul3A_0 = arith.muli %arg0, %mul3A : i32
    %add3A = arith.addi %mul3A_0, %arg1 : i32
    %broadcast_in_dim3A = arith.constant 0.000000e+00 : f32
    %broadcast_in_dim3A_1 = vector.broadcast %broadcast_in_dim3A : f32 to vector<16xf32>
    %scan3A = arith.constant 0 : i32
    %scan3A_2 = arith.constant 128 : i32
    %scan3A_3 = arith.addi %scan3A, %scan3A_2 : i32
    %scan3A_4 = arith.constant 1 : i32
    scf.for %scan3A_19 = %scan3A to %scan3A_3 step %scan3A_4  : i32 {
      %mul3A_20 = arith.constant 1 : i32
      %mul3A_21 = arith.muli %scan3A_19, %mul3A_20 : i32
      %add3A_22 = arith.constant 0 : i32
      %add3A_23 = arith.addi %add3A_22, %mul3A_21 : i32
      %swap3A = arith.index_cast %add3A_23 : i32 to index
      %swap3A_24 = arith.constant 0 : index
      %swap3A_25 = tpu.vector_load %arg8[%swap3A, %swap3A_24] {strides = array<i32>} : memref<128x48xf32, #tpu.memory_space<vmem>>, vector<1x16xf32>,
      %swap3A_26 = vector.shape_cast %swap3A_25 : vector<1x16xf32> to vector<16xf32>
      %swap3A_27 = vector.shape_cast %broadcast_in_dim3A_1 : vector<16xf32> to vector<1x16xf32>
      tpu.vector_store %arg8[%swap3A, %swap3A_24], %swap3A_27 {strides = array<i32>} : memref<128x48xf32, #tpu.memory_space<vmem>>, vector<1x16xf32>,
      %swap3A_28 = arith.index_cast %add3A_23 : i32 to index
      %swap3A_29 = arith.constant 16 : index
      %swap3A_30 = tpu.vector_load %arg8[%swap3A_28, %swap3A_29] {strides = array<i32>} : memref<128x48xf32, #tpu.memory_space<vmem>>, vector<1x16xf32>,
      %swap3A_31 = vector.shape_cast %swap3A_30 : vector<1x16xf32> to vector<16xf32>
      %swap3A_32 = vector.shape_cast %broadcast_in_dim3A_1 : vector<16xf32> to vector<1x16xf32>
      tpu.vector_store %arg8[%swap3A_28, %swap3A_29], %swap3A_32 {strides = array<i32>} : memref<128x48xf32, #tpu.memory_space<vmem>>, vector<1x16xf32>,
      %swap3A_33 = arith.index_cast %add3A_23 : i32 to index
      %swap3A_34 = arith.constant 32 : index
      %swap3A_35 = tpu.vector_load %arg8[%swap3A_33, %swap3A_34] {strides = array<i32>} : memref<128x48xf32, #tpu.memory_space<vmem>>, vector<1x16xf32>,
      %swap3A_36 = vector.shape_cast %swap3A_35 : vector<1x16xf32> to vector<16xf32>
      %swap3A_37 = vector.shape_cast %broadcast_in_dim3A_1 : vector<16xf32> to vector<1x16xf32>
      tpu.vector_store %arg8[%swap3A_33, %swap3A_34], %swap3A_37 {strides = array<i32>} : memref<128x48xf32, #tpu.memory_space<vmem>>, vector<1x16xf32>,
    }
    %scan3A_5 = arith.constant 128 : i32
    %mul3A_6 = arith.constant 640 : i32
    %mul3A_7 = arith.muli %arg1, %mul3A_6 : i32
    %scan3A_8 = arith.constant 0 : i32
    %scan3A_9 = arith.constant 5 : i32
    %scan3A_10 = arith.addi %scan3A_8, %scan3A_9 : i32
    %scan3A_11 = arith.constant 1 : i32
    scf.for %scan3A_19 = %scan3A_8 to %scan3A_10 step %scan3A_11  : i32 {
      %mul3A_20 = arith.constant 1 : i32
      %mul3A_21 = arith.muli %scan3A_19, %mul3A_20 : i32
      %add3A_22 = arith.constant 0 : i32
      %add3A_23 = arith.addi %add3A_22, %mul3A_21 : i32
      %mul3A_24 = arith.constant 128 : i32
      %mul3A_25 = arith.muli %add3A_23, %mul3A_24 : i32
      %add3A_26 = arith.addi %mul3A_7, %mul3A_25 : i32
      "tpu.region"() ({
        %run_scoped3A = tpu.sem_alloc : memref<!tpu.dma_semaphore, #tpu.memory_space<semaphore_mem>>
        %dma_start3A = arith.constant 0 : i32
        %dma_start3A_27 = tpu.memref_slice %arg9[%add3A_26, %dma_start3A] : memref<10240x48xf32, #tpu.memory_space<vmem_shared>> -> memref<128x48xf32, #tpu.memory_space<vmem_shared>>
        %dma_start3A_28 = arith.constant 0 : i32
        %dma_start3A_29 = tpu.memref_slice %arg9[%add3A_26, %dma_start3A_28] : memref<10240x48xf32, #tpu.memory_space<vmem_shared>> -> memref<128x48xf32, #tpu.memory_space<vmem_shared>>
        tpu.enqueue_dma source(%arg8 : memref<128x48xf32, #tpu.memory_space<vmem>>) target(%dma_start3A_29 : memref<128x48xf32, #tpu.memory_space<vmem_shared>>) target_semaphore(%run_scoped3A : memref<!tpu.dma_semaphore, #tpu.memory_space<semaphore_mem>>)
        %dma_wait3A = arith.constant 0 : i32
        %dma_wait3A_30 = tpu.memref_slice %arg9[%add3A_26, %dma_wait3A] : memref<10240x48xf32, #tpu.memory_space<vmem_shared>> -> memref<128x48xf32, #tpu.memory_space<vmem_shared>>
        %dma_wait3A_31 = arith.constant 0 : i32
        %dma_wait3A_32 = tpu.memref_slice %arg9[%add3A_26, %dma_wait3A_31] : memref<10240x48xf32, #tpu.memory_space<vmem_shared>> -> memref<128x48xf32, #tpu.memory_space<vmem_shared>>
        tpu.wait_dma2 semaphore(%run_scoped3A : memref<!tpu.dma_semaphore, #tpu.memory_space<semaphore_mem>>) src(%arg8 : memref<128x48xf32, #tpu.memory_space<vmem>>) dst(%dma_wait3A_32 : memref<128x48xf32, #tpu.memory_space<vmem_shared>>)
        tpu.yield
      }) : () -> ()
    }
    %scan3A_12 = arith.constant 5 : i32
    "tpu.region"() ({
      %run_scoped3A = tpu.sem_alloc : memref<!tpu.dma_semaphore, #tpu.memory_space<semaphore_mem>>
      %dma_start3A = arith.constant 0 : i32
      %dma_start3A_19 = arith.constant 0 : i32
      %dma_start3A_20 = tpu.memref_slice %arg3[%add3A, %dma_start3A, %dma_start3A_19] : memref<32x79x128xi32, #tpu.memory_space<hbm>> -> memref<1x79x128xi32, #tpu.memory_space<hbm>>
      %dma_start3A_21 = tpu.memref_squeeze %dma_start3A_20 : memref<1x79x128xi32, #tpu.memory_space<hbm>> -> memref<79x128xi32, #tpu.memory_space<hbm>>
      %dma_start3A_22 = arith.constant 0 : i32
      %dma_start3A_23 = arith.constant 0 : i32
      %dma_start3A_24 = tpu.memref_slice %arg3[%add3A, %dma_start3A_22, %dma_start3A_23] : memref<32x79x128xi32, #tpu.memory_space<hbm>> -> memref<1x79x128xi32, #tpu.memory_space<hbm>>
      %dma_start3A_25 = tpu.memref_squeeze %dma_start3A_24 : memref<1x79x128xi32, #tpu.memory_space<hbm>> -> memref<79x128xi32, #tpu.memory_space<hbm>>
      tpu.enqueue_dma source(%dma_start3A_25 : memref<79x128xi32, #tpu.memory_space<hbm>>) target(%arg6 : memref<79x128xi32, #tpu.memory_space<vmem>>) target_semaphore(%run_scoped3A : memref<!tpu.dma_semaphore, #tpu.memory_space<semaphore_mem>>)
      %dma_wait3A = arith.constant 0 : i32
      %dma_wait3A_26 = arith.constant 0 : i32
      %dma_wait3A_27 = tpu.memref_slice %arg3[%add3A, %dma_wait3A, %dma_wait3A_26] : memref<32x79x128xi32, #tpu.memory_space<hbm>> -> memref<1x79x128xi32, #tpu.memory_space<hbm>>
      %dma_wait3A_28 = tpu.memref_squeeze %dma_wait3A_27 : memref<1x79x128xi32, #tpu.memory_space<hbm>> -> memref<79x128xi32, #tpu.memory_space<hbm>>
      %dma_wait3A_29 = arith.constant 0 : i32
      %dma_wait3A_30 = arith.constant 0 : i32
      %dma_wait3A_31 = tpu.memref_slice %arg3[%add3A, %dma_wait3A_29, %dma_wait3A_30] : memref<32x79x128xi32, #tpu.memory_space<hbm>> -> memref<1x79x128xi32, #tpu.memory_space<hbm>>
      %dma_wait3A_32 = tpu.memref_squeeze %dma_wait3A_31 : memref<1x79x128xi32, #tpu.memory_space<hbm>> -> memref<79x128xi32, #tpu.memory_space<hbm>>
      tpu.wait_dma2 semaphore(%run_scoped3A : memref<!tpu.dma_semaphore, #tpu.memory_space<semaphore_mem>>) src(%dma_wait3A_32 : memref<79x128xi32, #tpu.memory_space<hbm>>) dst(%arg6 : memref<79x128xi32, #tpu.memory_space<vmem>>)
      tpu.yield
    }) : () -> ()
    "tpu.region"() ({
      %run_scoped3A = tpu.sem_alloc : memref<!tpu.dma_semaphore, #tpu.memory_space<semaphore_mem>>
      %dma_start3A = arith.constant 0 : i32
      %dma_start3A_19 = arith.constant 0 : i32
      %dma_start3A_20 = tpu.memref_slice %arg4[%add3A, %dma_start3A, %dma_start3A_19] : memref<32x79x128xi32, #tpu.memory_space<hbm>> -> memref<1x79x128xi32, #tpu.memory_space<hbm>>
      %dma_start3A_21 = tpu.memref_squeeze %dma_start3A_20 : memref<1x79x128xi32, #tpu.memory_space<hbm>> -> memref<79x128xi32, #tpu.memory_space<hbm>>
      %dma_start3A_22 = arith.constant 0 : i32
      %dma_start3A_23 = arith.constant 0 : i32
      %dma_start3A_24 = tpu.memref_slice %arg4[%add3A, %dma_start3A_22, %dma_start3A_23] : memref<32x79x128xi32, #tpu.memory_space<hbm>> -> memref<1x79x128xi32, #tpu.memory_space<hbm>>
      %dma_start3A_25 = tpu.memref_squeeze %dma_start3A_24 : memref<1x79x128xi32, #tpu.memory_space<hbm>> -> memref<79x128xi32, #tpu.memory_space<hbm>>
      tpu.enqueue_dma source(%dma_start3A_25 : memref<79x128xi32, #tpu.memory_space<hbm>>) target(%arg7 : memref<79x128xi32, #tpu.memory_space<vmem>>) target_semaphore(%run_scoped3A : memref<!tpu.dma_semaphore, #tpu.memory_space<semaphore_mem>>)
      %dma_wait3A = arith.constant 0 : i32
      %dma_wait3A_26 = arith.constant 0 : i32
      %dma_wait3A_27 = tpu.memref_slice %arg4[%add3A, %dma_wait3A, %dma_wait3A_26] : memref<32x79x128xi32, #tpu.memory_space<hbm>> -> memref<1x79x128xi32, #tpu.memory_space<hbm>>
      %dma_wait3A_28 = tpu.memref_squeeze %dma_wait3A_27 : memref<1x79x128xi32, #tpu.memory_space<hbm>> -> memref<79x128xi32, #tpu.memory_space<hbm>>
      %dma_wait3A_29 = arith.constant 0 : i32
      %dma_wait3A_30 = arith.constant 0 : i32
      %dma_wait3A_31 = tpu.memref_slice %arg4[%add3A, %dma_wait3A_29, %dma_wait3A_30] : memref<32x79x128xi32, #tpu.memory_space<hbm>> -> memref<1x79x128xi32, #tpu.memory_space<hbm>>
      %dma_wait3A_32 = tpu.memref_squeeze %dma_wait3A_31 : memref<1x79x128xi32, #tpu.memory_space<hbm>> -> memref<79x128xi32, #tpu.memory_space<hbm>>
      tpu.wait_dma2 semaphore(%run_scoped3A : memref<!tpu.dma_semaphore, #tpu.memory_space<semaphore_mem>>) src(%dma_wait3A_32 : memref<79x128xi32, #tpu.memory_space<hbm>>) dst(%arg7 : memref<79x128xi32, #tpu.memory_space<vmem>>)
      tpu.yield
    }) : () -> ()
    %barrier3A = arith.constant 0 : index
    tpu.barrier barrier_id(%barrier3A)
    %scan3A_13 = arith.constant 0 : i32
    %scan3A_14 = arith.constant 79 : i32
    %scan3A_15 = arith.addi %scan3A_13, %scan3A_14 : i32
    %scan3A_16 = arith.constant 1 : i32
    scf.for %scan3A_19 = %scan3A_13 to %scan3A_15 step %scan3A_16  : i32 {
      %mul3A_20 = arith.constant 1 : i32
      %mul3A_21 = arith.muli %scan3A_19, %mul3A_20 : i32
      %add3A_22 = arith.constant 0 : i32
      %add3A_23 = arith.addi %add3A_22, %mul3A_21 : i32
      %dma_start3A = arith.constant 0 : i32
      %dma_start3A_24 = tpu.memref_slice %arg6[%add3A_23, %dma_start3A] : memref<79x128xi32, #tpu.memory_space<vmem>> -> memref<1x128xi32, #tpu.memory_space<vmem>>
      %dma_start3A_25 = tpu.memref_squeeze %dma_start3A_24 : memref<1x128xi32, #tpu.memory_space<vmem>> -> memref<128xi32, #tpu.memory_space<vmem>>
      %dma_start3A_26 = arith.constant 0 : i32
      %dma_start3A_27 = arith.constant 0 : i32
      %dma_start3A_28 = tpu.memref_slice %arg2[%dma_start3A_26, %dma_start3A_27] : memref<10000x48xf32, #tpu.memory_space<hbm>> -> memref<10000x48xf32, #tpu.memory_space<hbm>>
      tpu.enqueue_indirect_dma source(%dma_start3A_28 : memref<10000x48xf32, #tpu.memory_space<hbm>>) target(%arg8 : memref<128x48xf32, #tpu.memory_space<vmem>>) offsets(%dma_start3A_25 : memref<128xi32, #tpu.memory_space<vmem>>) semaphore(%arg10 : memref<!tpu.dma_semaphore, #tpu.memory_space<semaphore_mem>>)
      %dma_wait3A = arith.constant 0 : i32
      %dma_wait3A_29 = tpu.memref_slice %arg6[%add3A_23, %dma_wait3A] : memref<79x128xi32, #tpu.memory_space<vmem>> -> memref<1x128xi32, #tpu.memory_space<vmem>>
      %dma_wait3A_30 = tpu.memref_squeeze %dma_wait3A_29 : memref<1x128xi32, #tpu.memory_space<vmem>> -> memref<128xi32, #tpu.memory_space<vmem>>
      %dma_wait3A_31 = arith.constant 0 : i32
      %dma_wait3A_32 = arith.constant 0 : i32
      %dma_wait3A_33 = tpu.memref_slice %arg2[%dma_wait3A_31, %dma_wait3A_32] : memref<10000x48xf32, #tpu.memory_space<hbm>> -> memref<10000x48xf32, #tpu.memory_space<hbm>>
      tpu.wait_indirect_dma semaphore(%arg10 : memref<!tpu.dma_semaphore, #tpu.memory_space<semaphore_mem>>) src(%dma_wait3A_33 : memref<10000x48xf32, #tpu.memory_space<hbm>>) dst(%arg8 : memref<128x48xf32, #tpu.memory_space<vmem>>)
      "tpu.region"() ({
        %run_scoped3A = tpu.sem_alloc : memref<!tpu.dma_semaphore, #tpu.memory_space<semaphore_mem>>
        %dma_start3A_34 = arith.constant 0 : i32
        %dma_start3A_35 = tpu.memref_slice %arg7[%add3A_23, %dma_start3A_34] : memref<79x128xi32, #tpu.memory_space<vmem>> -> memref<1x128xi32, #tpu.memory_space<vmem>>
        %dma_start3A_36 = tpu.memref_squeeze %dma_start3A_35 : memref<1x128xi32, #tpu.memory_space<vmem>> -> memref<128xi32, #tpu.memory_space<vmem>>
        %dma_start3A_37 = arith.constant 0 : i32
        %dma_start3A_38 = arith.constant 0 : i32
        %dma_start3A_39 = tpu.memref_slice %arg9[%dma_start3A_37, %dma_start3A_38] : memref<10240x48xf32, #tpu.memory_space<vmem_shared>> -> memref<10240x48xf32, #tpu.memory_space<vmem_shared>>
        tpu.enqueue_indirect_dma source(%arg8 : memref<128x48xf32, #tpu.memory_space<vmem>>) target(%dma_start3A_39 : memref<10240x48xf32, #tpu.memory_space<vmem_shared>>) offsets(%dma_start3A_36 : memref<128xi32, #tpu.memory_space<vmem>>) semaphore(%run_scoped3A : memref<!tpu.dma_semaphore, #tpu.memory_space<semaphore_mem>>) {add = true}
        %dma_wait3A_40 = arith.constant 0 : i32
        %dma_wait3A_41 = tpu.memref_slice %arg7[%add3A_23, %dma_wait3A_40] : memref<79x128xi32, #tpu.memory_space<vmem>> -> memref<1x128xi32, #tpu.memory_space<vmem>>
        %dma_wait3A_42 = tpu.memref_squeeze %dma_wait3A_41 : memref<1x128xi32, #tpu.memory_space<vmem>> -> memref<128xi32, #tpu.memory_space<vmem>>
        %dma_wait3A_43 = arith.constant 0 : i32
        %dma_wait3A_44 = arith.constant 0 : i32
        %dma_wait3A_45 = tpu.memref_slice %arg9[%dma_wait3A_43, %dma_wait3A_44] : memref<10240x48xf32, #tpu.memory_space<vmem_shared>> -> memref<10240x48xf32, #tpu.memory_space<vmem_shared>>
        tpu.wait_indirect_dma semaphore(%run_scoped3A : memref<!tpu.dma_semaphore, #tpu.memory_space<semaphore_mem>>) src(%arg8 : memref<128x48xf32, #tpu.memory_space<vmem>>) dst(%dma_wait3A_45 : memref<10240x48xf32, #tpu.memory_space<vmem_shared>>)
        tpu.yield
      }) : () -> ()
    }
    %scan3A_17 = arith.constant 79 : i32
    %barrier3A_18 = arith.constant 0 : index
    tpu.barrier barrier_id(%barrier3A_18)
    "tpu.region"() ({
      %run_scoped3A = tpu.sem_alloc : memref<!tpu.dma_semaphore, #tpu.memory_space<semaphore_mem>>
      %dma_start3A = arith.constant 0 : i32
      %dma_start3A_19 = tpu.memref_slice %arg5[%arg0, %mul3A_7, %dma_start3A] : memref<2x10240x48xf32, #tpu.memory_space<hbm>> -> memref<1x640x48xf32, #tpu.memory_space<hbm>>
      %dma_start3A_20 = tpu.memref_squeeze %dma_start3A_19 : memref<1x640x48xf32, #tpu.memory_space<hbm>> -> memref<640x48xf32, #tpu.memory_space<hbm>>
      %dma_start3A_21 = arith.constant 0 : i32
      %dma_start3A_22 = tpu.memref_slice %arg9[%mul3A_7, %dma_start3A_21] : memref<10240x48xf32, #tpu.memory_space<vmem_shared>> -> memref<640x48xf32, #tpu.memory_space<vmem_shared>>
      tpu.enqueue_dma source(%dma_start3A_22 : memref<640x48xf32, #tpu.memory_space<vmem_shared>>) target(%dma_start3A_20 : memref<640x48xf32, #tpu.memory_space<hbm>>) target_semaphore(%run_scoped3A : memref<!tpu.dma_semaphore, #tpu.memory_space<semaphore_mem>>)
      %dma_wait3A = arith.constant 0 : i32
      %dma_wait3A_23 = tpu.memref_slice %arg5[%arg0, %mul3A_7, %dma_wait3A] : memref<2x10240x48xf32, #tpu.memory_space<hbm>> -> memref<1x640x48xf32, #tpu.memory_space<hbm>>
      %dma_wait3A_24 = tpu.memref_squeeze %dma_wait3A_23 : memref<1x640x48xf32, #tpu.memory_space<hbm>> -> memref<640x48xf32, #tpu.memory_space<hbm>>
      %dma_wait3A_25 = arith.constant 0 : i32
      %dma_wait3A_26 = tpu.memref_slice %arg9[%mul3A_7, %dma_wait3A_25] : memref<10240x48xf32, #tpu.memory_space<vmem_shared>> -> memref<640x48xf32, #tpu.memory_space<vmem_shared>>
      tpu.wait_dma2 semaphore(%run_scoped3A : memref<!tpu.dma_semaphore, #tpu.memory_space<semaphore_mem>>) src(%dma_wait3A_26 : memref<640x48xf32, #tpu.memory_space<vmem_shared>>) dst(%dma_wait3A_24 : memref<640x48xf32, #tpu.memory_space<hbm>>)
      tpu.yield
    }) : () -> ()
    return
  }
}

module attributes {stable_mosaic.version = 14 : i64} {
  func.func @body(%arg0: memref<10000x128xf32, #tpu.memory_space<vmem>>, %arg1: memref<128x128xf32, #tpu.memory_space<vmem>>, %arg2: memref<10000x144xf32, #tpu.memory_space<vmem>>) attributes {dimension_semantics = [], scalar_prefetch = 0 : i64, scratch_operands = 0 : i64, tpu.core_type = #tpu.core_type<tc>} {
    %get3A = arith.constant 0 : index
    %get3A_0 = arith.constant 0 : index
    %get3A_1 = vector.load %arg0[%get3A, %get3A_0] : memref<10000x128xf32, #tpu.memory_space<vmem>>, vector<10000x128xf32>
    %get3A_2 = arith.constant 0 : index
    %get3A_3 = arith.constant 0 : index
    %get3A_4 = vector.load %arg1[%get3A_2, %get3A_3] : memref<128x128xf32, #tpu.memory_space<vmem>>, vector<128x128xf32>
    %dot_general3A = arith.constant dense<0.000000e+00> : vector<10000x128xf32>
    %dot_general3A_5 = tpu.matmul %get3A_1, %get3A_4, %dot_general3A {dimension_numbers = #tpu.dot_dimension_numbers<[1], [0], [0], [1], [0, 0, 1, 1], [], []>, transpose_lhs_hint = false} : vector<10000x128xf32>, vector<128x128xf32>, vector<10000x128xf32> -> vector<10000x128xf32>
    %swap3A = arith.constant 0 : index
    %swap3A_6 = arith.constant 0 : index
    %swap3A_7 = vector.load %arg2[%swap3A, %swap3A_6] : memref<10000x144xf32, #tpu.memory_space<vmem>>, vector<10000x128xf32>
    tpu.vector_store %arg2[%swap3A, %swap3A_6], %dot_general3A_5 {strides = array<i32>} : memref<10000x144xf32, #tpu.memory_space<vmem>>, vector<10000x128xf32>,
    %iota3A = tpu.iota {dimensions = array<i32: 1>} : vector<10000x16xi32>
    %eq3A = arith.constant 0 : i32
    %eq3A_8 = vector.broadcast %eq3A : i32 to vector<10000x16xi32>
    %eq3A_9 = arith.cmpi eq, %iota3A, %eq3A_8 : vector<10000x16xi32>
    %jit3A = arith.constant 1.000000e+00 : f32
    %jit3A_10 = arith.constant 0.000000e+00 : f32
    %broadcast_in_dim3A = vector.broadcast %jit3A : f32 to vector<10000x16xf32>
    %broadcast_in_dim3A_11 = vector.broadcast %jit3A_10 : f32 to vector<10000x16xf32>
    %select_n3A = arith.select %eq3A_9, %broadcast_in_dim3A, %broadcast_in_dim3A_11 : vector<10000x16xi1>, vector<10000x16xf32>
    %swap3A_12 = arith.constant 0 : index
    %swap3A_13 = arith.constant 128 : index
    %swap3A_14 = vector.load %arg2[%swap3A_12, %swap3A_13] : memref<10000x144xf32, #tpu.memory_space<vmem>>, vector<10000x16xf32>
    tpu.vector_store %arg2[%swap3A_12, %swap3A_13], %select_n3A {strides = array<i32>} : memref<10000x144xf32, #tpu.memory_space<vmem>>, vector<10000x16xf32>,
    return
  }
}

module attributes {stable_mosaic.version = 14 : i64} {
  func.func @body(%arg0: memref<2x10240x144xf32, #tpu.memory_space<vmem>>, %arg1: memref<10000x128xf32, #tpu.memory_space<vmem>>, %arg2: memref<128x128xf32, #tpu.memory_space<vmem>>, %arg3: memref<128xf32, #tpu.memory_space<vmem>>, %arg4: memref<128xf32, #tpu.memory_space<vmem>>, %arg5: memref<128xf32, #tpu.memory_space<vmem>>, %arg6: memref<128x128xf32, #tpu.memory_space<vmem>>, %arg7: memref<10000x128xf32, #tpu.memory_space<vmem>>, %arg8: memref<10000x128xf32, #tpu.memory_space<vmem>>, %arg9: memref<10000x1xf32, #tpu.memory_space<vmem>>) attributes {dimension_semantics = [], scalar_prefetch = 0 : i64, scratch_operands = 0 : i64, tpu.core_type = #tpu.core_type<tc>} {
    %get3A = arith.constant 0 : index
    %get3A_0 = arith.constant 0 : index
    %get3A_1 = arith.constant 0 : index
    %get3A_2 = vector.load %arg0[%get3A, %get3A_0, %get3A_1] : memref<2x10240x144xf32, #tpu.memory_space<vmem>>, vector<1x10000x144xf32>
    %get3A_3 = vector.shape_cast %get3A_2 : vector<1x10000x144xf32> to vector<10000x144xf32>
    %get3A_4 = arith.constant 1 : index
    %get3A_5 = arith.constant 0 : index
    %get3A_6 = arith.constant 0 : index
    %get3A_7 = vector.load %arg0[%get3A_4, %get3A_5, %get3A_6] : memref<2x10240x144xf32, #tpu.memory_space<vmem>>, vector<1x10000x144xf32>
    %get3A_8 = vector.shape_cast %get3A_7 : vector<1x10000x144xf32> to vector<10000x144xf32>
    %add3A = arith.addf %get3A_3, %get3A_8 : vector<10000x144xf32>
    %slice3A = vector.extract_strided_slice %add3A {offsets = [0, 128], sizes = [10000, 1], strides = [1, 1]} : vector<10000x144xf32> to vector<10000x1xf32>
    %max3A = arith.constant 1.000000e+00 : f32
    %max3A_9 = vector.broadcast %max3A : f32 to vector<10000x1xf32>
    %max3A_10 = arith.maximumf %slice3A, %max3A_9 : vector<10000x1xf32>
    %swap3A = arith.constant 0 : index
    %swap3A_11 = arith.constant 0 : index
    %swap3A_12 = vector.load %arg9[%swap3A, %swap3A_11] : memref<10000x1xf32, #tpu.memory_space<vmem>>, vector<10000x1xf32>
    tpu.vector_store %arg9[%swap3A, %swap3A_11], %max3A_10 {strides = array<i32>} : memref<10000x1xf32, #tpu.memory_space<vmem>>, vector<10000x1xf32>,
    %slice3A_13 = vector.extract_strided_slice %add3A {offsets = [0, 0], sizes = [10000, 128], strides = [1, 1]} : vector<10000x144xf32> to vector<10000x128xf32>
    %div3A = vector.broadcast %max3A_10 : vector<10000x1xf32> to vector<10000x128xf32>
    %div3A_14 = arith.divf %slice3A_13, %div3A : vector<10000x128xf32>
    %get3A_15 = arith.constant 0 : index
    %get3A_16 = arith.constant 0 : index
    %get3A_17 = vector.load %arg1[%get3A_15, %get3A_16] : memref<10000x128xf32, #tpu.memory_space<vmem>>, vector<10000x128xf32>
    %get3A_18 = arith.constant 0 : index
    %get3A_19 = arith.constant 0 : index
    %get3A_20 = vector.load %arg2[%get3A_18, %get3A_19] : memref<128x128xf32, #tpu.memory_space<vmem>>, vector<128x128xf32>
    %dot_general3A = arith.constant dense<0.000000e+00> : vector<10000x128xf32>
    %dot_general3A_21 = tpu.matmul %get3A_17, %get3A_20, %dot_general3A {dimension_numbers = #tpu.dot_dimension_numbers<[1], [0], [0], [1], [0, 0, 1, 1], [], []>, transpose_lhs_hint = false} : vector<10000x128xf32>, vector<128x128xf32>, vector<10000x128xf32> -> vector<10000x128xf32>
    %add3A_22 = arith.addf %div3A_14, %dot_general3A_21 : vector<10000x128xf32>
    %get3A_23 = arith.constant 0 : index
    %get3A_24 = vector.load %arg3[%get3A_23] : memref<128xf32, #tpu.memory_space<vmem>>, vector<128xf32>
    %broadcast_in_dim3A = vector.shape_cast %get3A_24 : vector<128xf32> to vector<1x128xf32>
    %add3A_25 = vector.broadcast %broadcast_in_dim3A : vector<1x128xf32> to vector<10000x128xf32>
    %add3A_26 = arith.addf %add3A_22, %add3A_25 : vector<10000x128xf32>
    %reduce_sum3A = arith.constant dense<0.000000e+00> : vector<128xf32>
    %reduce_sum3A_27 = vector.multi_reduction <add>, %add3A_26, %reduce_sum3A [0] : vector<10000x128xf32> to vector<128xf32>
    %div3A_28 = arith.constant 1.000000e+04 : f32
    %div3A_29 = vector.broadcast %div3A_28 : f32 to vector<128xf32>
    %div3A_30 = arith.divf %reduce_sum3A_27, %div3A_29 : vector<128xf32>
    %broadcast_in_dim3A_31 = vector.shape_cast %div3A_30 : vector<128xf32> to vector<1x128xf32>
    %sub3A = vector.broadcast %broadcast_in_dim3A_31 : vector<1x128xf32> to vector<10000x128xf32>
    %sub3A_32 = arith.subf %add3A_26, %sub3A : vector<10000x128xf32>
    %integer_pow3A = arith.mulf %sub3A_32, %sub3A_32 : vector<10000x128xf32>
    %reduce_sum3A_33 = arith.constant dense<0.000000e+00> : vector<128xf32>
    %reduce_sum3A_34 = vector.multi_reduction <add>, %integer_pow3A, %reduce_sum3A_33 [0] : vector<10000x128xf32> to vector<128xf32>
    %div3A_35 = arith.constant 1.000000e+04 : f32
    %div3A_36 = vector.broadcast %div3A_35 : f32 to vector<128xf32>
    %div3A_37 = arith.divf %reduce_sum3A_34, %div3A_36 : vector<128xf32>
    %broadcast_in_dim3A_38 = vector.shape_cast %div3A_30 : vector<128xf32> to vector<1x128xf32>
    %sub3A_39 = vector.broadcast %broadcast_in_dim3A_38 : vector<1x128xf32> to vector<10000x128xf32>
    %sub3A_40 = arith.subf %add3A_26, %sub3A_39 : vector<10000x128xf32>
    %add3A_41 = arith.constant 9.99999974E-6 : f32
    %add3A_42 = vector.broadcast %add3A_41 : f32 to vector<128xf32>
    %add3A_43 = arith.addf %div3A_37, %add3A_42 : vector<128xf32>
    %sqrt3A = math.sqrt %add3A_43 : vector<128xf32>
    %broadcast_in_dim3A_44 = vector.shape_cast %sqrt3A : vector<128xf32> to vector<1x128xf32>
    %div3A_45 = vector.broadcast %broadcast_in_dim3A_44 : vector<1x128xf32> to vector<10000x128xf32>
    %div3A_46 = arith.divf %sub3A_40, %div3A_45 : vector<10000x128xf32>
    %get3A_47 = arith.constant 0 : index
    %get3A_48 = vector.load %arg4[%get3A_47] : memref<128xf32, #tpu.memory_space<vmem>>, vector<128xf32>
    %broadcast_in_dim3A_49 = vector.shape_cast %get3A_48 : vector<128xf32> to vector<1x128xf32>
    %mul3A = vector.broadcast %broadcast_in_dim3A_49 : vector<1x128xf32> to vector<10000x128xf32>
    %mul3A_50 = arith.mulf %div3A_46, %mul3A : vector<10000x128xf32>
    %get3A_51 = arith.constant 0 : index
    %get3A_52 = vector.load %arg5[%get3A_51] : memref<128xf32, #tpu.memory_space<vmem>>, vector<128xf32>
    %broadcast_in_dim3A_53 = vector.shape_cast %get3A_52 : vector<128xf32> to vector<1x128xf32>
    %add3A_54 = vector.broadcast %broadcast_in_dim3A_53 : vector<1x128xf32> to vector<10000x128xf32>
    %add3A_55 = arith.addf %mul3A_50, %add3A_54 : vector<10000x128xf32>
    %max3A_56 = arith.constant 0.000000e+00 : f32
    %max3A_57 = vector.broadcast %max3A_56 : f32 to vector<10000x128xf32>
    %max3A_58 = arith.maximumf %add3A_55, %max3A_57 : vector<10000x128xf32>
    %swap3A_59 = arith.constant 0 : index
    %swap3A_60 = arith.constant 0 : index
    %swap3A_61 = vector.load %arg7[%swap3A_59, %swap3A_60] : memref<10000x128xf32, #tpu.memory_space<vmem>>, vector<10000x128xf32>
    tpu.vector_store %arg7[%swap3A_59, %swap3A_60], %max3A_58 {strides = array<i32>} : memref<10000x128xf32, #tpu.memory_space<vmem>>, vector<10000x128xf32>,
    %get3A_62 = arith.constant 0 : index
    %get3A_63 = arith.constant 0 : index
    %get3A_64 = vector.load %arg6[%get3A_62, %get3A_63] : memref<128x128xf32, #tpu.memory_space<vmem>>, vector<128x128xf32>
    %dot_general3A_65 = arith.constant dense<0.000000e+00> : vector<10000x128xf32>
    %dot_general3A_66 = tpu.matmul %max3A_58, %get3A_64, %dot_general3A_65 {dimension_numbers = #tpu.dot_dimension_numbers<[1], [0], [0], [1], [0, 0, 1, 1], [], []>, transpose_lhs_hint = false} : vector<10000x128xf32>, vector<128x128xf32>, vector<10000x128xf32> -> vector<10000x128xf32>
    %swap3A_67 = arith.constant 0 : index
    %swap3A_68 = arith.constant 0 : index
    %swap3A_69 = vector.load %arg8[%swap3A_67, %swap3A_68] : memref<10000x128xf32, #tpu.memory_space<vmem>>, vector<10000x128xf32>
    tpu.vector_store %arg8[%swap3A_67, %swap3A_68], %dot_general3A_66 {strides = array<i32>} : memref<10000x128xf32, #tpu.memory_space<vmem>>, vector<10000x128xf32>,
    return
  }
}

module attributes {stable_mosaic.version = 14 : i64} {
  func.func @body(%arg0: memref<2x10240x128xf32, #tpu.memory_space<vmem>>, %arg1: memref<10000x1xf32, #tpu.memory_space<vmem>>, %arg2: memref<10000x128xf32, #tpu.memory_space<vmem>>, %arg3: memref<128x128xf32, #tpu.memory_space<vmem>>, %arg4: memref<128xf32, #tpu.memory_space<vmem>>, %arg5: memref<128xf32, #tpu.memory_space<vmem>>, %arg6: memref<128xf32, #tpu.memory_space<vmem>>, %arg7: memref<128x48xf32, #tpu.memory_space<vmem>>, %arg8: memref<10000x128xf32, #tpu.memory_space<vmem>>, %arg9: memref<10000x48xf32, #tpu.memory_space<vmem>>) attributes {dimension_semantics = [], scalar_prefetch = 0 : i64, scratch_operands = 0 : i64, tpu.core_type = #tpu.core_type<tc>} {
    %get3A = arith.constant 0 : index
    %get3A_0 = arith.constant 0 : index
    %get3A_1 = arith.constant 0 : index
    %get3A_2 = vector.load %arg0[%get3A, %get3A_0, %get3A_1] : memref<2x10240x128xf32, #tpu.memory_space<vmem>>, vector<1x10000x128xf32>
    %get3A_3 = vector.shape_cast %get3A_2 : vector<1x10000x128xf32> to vector<10000x128xf32>
    %get3A_4 = arith.constant 1 : index
    %get3A_5 = arith.constant 0 : index
    %get3A_6 = arith.constant 0 : index
    %get3A_7 = vector.load %arg0[%get3A_4, %get3A_5, %get3A_6] : memref<2x10240x128xf32, #tpu.memory_space<vmem>>, vector<1x10000x128xf32>
    %get3A_8 = vector.shape_cast %get3A_7 : vector<1x10000x128xf32> to vector<10000x128xf32>
    %add3A = arith.addf %get3A_3, %get3A_8 : vector<10000x128xf32>
    %get3A_9 = arith.constant 0 : index
    %get3A_10 = arith.constant 0 : index
    %get3A_11 = vector.load %arg1[%get3A_9, %get3A_10] : memref<10000x1xf32, #tpu.memory_space<vmem>>, vector<10000x1xf32>
    %div3A = vector.broadcast %get3A_11 : vector<10000x1xf32> to vector<10000x128xf32>
    %div3A_12 = arith.divf %add3A, %div3A : vector<10000x128xf32>
    %get3A_13 = arith.constant 0 : index
    %get3A_14 = arith.constant 0 : index
    %get3A_15 = vector.load %arg2[%get3A_13, %get3A_14] : memref<10000x128xf32, #tpu.memory_space<vmem>>, vector<10000x128xf32>
    %get3A_16 = arith.constant 0 : index
    %get3A_17 = arith.constant 0 : index
    %get3A_18 = vector.load %arg3[%get3A_16, %get3A_17] : memref<128x128xf32, #tpu.memory_space<vmem>>, vector<128x128xf32>
    %dot_general3A = arith.constant dense<0.000000e+00> : vector<10000x128xf32>
    %dot_general3A_19 = tpu.matmul %get3A_15, %get3A_18, %dot_general3A {dimension_numbers = #tpu.dot_dimension_numbers<[1], [0], [0], [1], [0, 0, 1, 1], [], []>, transpose_lhs_hint = false} : vector<10000x128xf32>, vector<128x128xf32>, vector<10000x128xf32> -> vector<10000x128xf32>
    %add3A_20 = arith.addf %div3A_12, %dot_general3A_19 : vector<10000x128xf32>
    %get3A_21 = arith.constant 0 : index
    %get3A_22 = vector.load %arg4[%get3A_21] : memref<128xf32, #tpu.memory_space<vmem>>, vector<128xf32>
    %broadcast_in_dim3A = vector.shape_cast %get3A_22 : vector<128xf32> to vector<1x128xf32>
    %add3A_23 = vector.broadcast %broadcast_in_dim3A : vector<1x128xf32> to vector<10000x128xf32>
    %add3A_24 = arith.addf %add3A_20, %add3A_23 : vector<10000x128xf32>
    %reduce_sum3A = arith.constant dense<0.000000e+00> : vector<128xf32>
    %reduce_sum3A_25 = vector.multi_reduction <add>, %add3A_24, %reduce_sum3A [0] : vector<10000x128xf32> to vector<128xf32>
    %div3A_26 = arith.constant 1.000000e+04 : f32
    %div3A_27 = vector.broadcast %div3A_26 : f32 to vector<128xf32>
    %div3A_28 = arith.divf %reduce_sum3A_25, %div3A_27 : vector<128xf32>
    %broadcast_in_dim3A_29 = vector.shape_cast %div3A_28 : vector<128xf32> to vector<1x128xf32>
    %sub3A = vector.broadcast %broadcast_in_dim3A_29 : vector<1x128xf32> to vector<10000x128xf32>
    %sub3A_30 = arith.subf %add3A_24, %sub3A : vector<10000x128xf32>
    %integer_pow3A = arith.mulf %sub3A_30, %sub3A_30 : vector<10000x128xf32>
    %reduce_sum3A_31 = arith.constant dense<0.000000e+00> : vector<128xf32>
    %reduce_sum3A_32 = vector.multi_reduction <add>, %integer_pow3A, %reduce_sum3A_31 [0] : vector<10000x128xf32> to vector<128xf32>
    %div3A_33 = arith.constant 1.000000e+04 : f32
    %div3A_34 = vector.broadcast %div3A_33 : f32 to vector<128xf32>
    %div3A_35 = arith.divf %reduce_sum3A_32, %div3A_34 : vector<128xf32>
    %broadcast_in_dim3A_36 = vector.shape_cast %div3A_28 : vector<128xf32> to vector<1x128xf32>
    %sub3A_37 = vector.broadcast %broadcast_in_dim3A_36 : vector<1x128xf32> to vector<10000x128xf32>
    %sub3A_38 = arith.subf %add3A_24, %sub3A_37 : vector<10000x128xf32>
    %add3A_39 = arith.constant 9.99999974E-6 : f32
    %add3A_40 = vector.broadcast %add3A_39 : f32 to vector<128xf32>
    %add3A_41 = arith.addf %div3A_35, %add3A_40 : vector<128xf32>
    %sqrt3A = math.sqrt %add3A_41 : vector<128xf32>
    %broadcast_in_dim3A_42 = vector.shape_cast %sqrt3A : vector<128xf32> to vector<1x128xf32>
    %div3A_43 = vector.broadcast %broadcast_in_dim3A_42 : vector<1x128xf32> to vector<10000x128xf32>
    %div3A_44 = arith.divf %sub3A_38, %div3A_43 : vector<10000x128xf32>
    %get3A_45 = arith.constant 0 : index
    %get3A_46 = vector.load %arg5[%get3A_45] : memref<128xf32, #tpu.memory_space<vmem>>, vector<128xf32>
    %broadcast_in_dim3A_47 = vector.shape_cast %get3A_46 : vector<128xf32> to vector<1x128xf32>
    %mul3A = vector.broadcast %broadcast_in_dim3A_47 : vector<1x128xf32> to vector<10000x128xf32>
    %mul3A_48 = arith.mulf %div3A_44, %mul3A : vector<10000x128xf32>
    %get3A_49 = arith.constant 0 : index
    %get3A_50 = vector.load %arg6[%get3A_49] : memref<128xf32, #tpu.memory_space<vmem>>, vector<128xf32>
    %broadcast_in_dim3A_51 = vector.shape_cast %get3A_50 : vector<128xf32> to vector<1x128xf32>
    %add3A_52 = vector.broadcast %broadcast_in_dim3A_51 : vector<1x128xf32> to vector<10000x128xf32>
    %add3A_53 = arith.addf %mul3A_48, %add3A_52 : vector<10000x128xf32>
    %max3A = arith.constant 0.000000e+00 : f32
    %max3A_54 = vector.broadcast %max3A : f32 to vector<10000x128xf32>
    %max3A_55 = arith.maximumf %add3A_53, %max3A_54 : vector<10000x128xf32>
    %swap3A = arith.constant 0 : index
    %swap3A_56 = arith.constant 0 : index
    %swap3A_57 = vector.load %arg8[%swap3A, %swap3A_56] : memref<10000x128xf32, #tpu.memory_space<vmem>>, vector<10000x128xf32>
    tpu.vector_store %arg8[%swap3A, %swap3A_56], %max3A_55 {strides = array<i32>} : memref<10000x128xf32, #tpu.memory_space<vmem>>, vector<10000x128xf32>,
    %get3A_58 = arith.constant 0 : index
    %get3A_59 = arith.constant 0 : index
    %get3A_60 = vector.load %arg7[%get3A_58, %get3A_59] : memref<128x48xf32, #tpu.memory_space<vmem>>, vector<128x48xf32>
    %dot_general3A_61 = arith.constant dense<0.000000e+00> : vector<10000x48xf32>
    %dot_general3A_62 = tpu.matmul %max3A_55, %get3A_60, %dot_general3A_61 {dimension_numbers = #tpu.dot_dimension_numbers<[1], [0], [0], [1], [0, 0, 1, 1], [], []>, transpose_lhs_hint = false} : vector<10000x128xf32>, vector<128x48xf32>, vector<10000x48xf32> -> vector<10000x48xf32>
    %swap3A_63 = arith.constant 0 : index
    %swap3A_64 = arith.constant 0 : index
    %swap3A_65 = vector.load %arg9[%swap3A_63, %swap3A_64] : memref<10000x48xf32, #tpu.memory_space<vmem>>, vector<10000x48xf32>
    tpu.vector_store %arg9[%swap3A_63, %swap3A_64], %dot_general3A_62 {strides = array<i32>} : memref<10000x48xf32, #tpu.memory_space<vmem>>, vector<10000x48xf32>,
    return
  }
}

module attributes {stable_mosaic.version = 14 : i64} {
  func.func @body(%arg0: memref<2x10240x48xf32, #tpu.memory_space<vmem>>, %arg1: memref<10000x1xf32, #tpu.memory_space<vmem>>, %arg2: memref<10000x128xf32, #tpu.memory_space<vmem>>, %arg3: memref<128x40xf32, #tpu.memory_space<vmem>>, %arg4: memref<40xf32, #tpu.memory_space<vmem>>, %arg5: memref<10000x40xf32, #tpu.memory_space<vmem>>) attributes {dimension_semantics = [], scalar_prefetch = 0 : i64, scratch_operands = 0 : i64, tpu.core_type = #tpu.core_type<tc>} {
    %get3A = arith.constant 0 : index
    %get3A_0 = arith.constant 0 : index
    %get3A_1 = arith.constant 0 : index
    %get3A_2 = vector.load %arg0[%get3A, %get3A_0, %get3A_1] : memref<2x10240x48xf32, #tpu.memory_space<vmem>>, vector<1x10000x40xf32>
    %get3A_3 = vector.shape_cast %get3A_2 : vector<1x10000x40xf32> to vector<10000x40xf32>
    %get3A_4 = arith.constant 1 : index
    %get3A_5 = arith.constant 0 : index
    %get3A_6 = arith.constant 0 : index
    %get3A_7 = vector.load %arg0[%get3A_4, %get3A_5, %get3A_6] : memref<2x10240x48xf32, #tpu.memory_space<vmem>>, vector<1x10000x40xf32>
    %get3A_8 = vector.shape_cast %get3A_7 : vector<1x10000x40xf32> to vector<10000x40xf32>
    %add3A = arith.addf %get3A_3, %get3A_8 : vector<10000x40xf32>
    %get3A_9 = arith.constant 0 : index
    %get3A_10 = arith.constant 0 : index
    %get3A_11 = vector.load %arg1[%get3A_9, %get3A_10] : memref<10000x1xf32, #tpu.memory_space<vmem>>, vector<10000x1xf32>
    %div3A = vector.broadcast %get3A_11 : vector<10000x1xf32> to vector<10000x40xf32>
    %div3A_12 = arith.divf %add3A, %div3A : vector<10000x40xf32>
    %get3A_13 = arith.constant 0 : index
    %get3A_14 = arith.constant 0 : index
    %get3A_15 = vector.load %arg2[%get3A_13, %get3A_14] : memref<10000x128xf32, #tpu.memory_space<vmem>>, vector<10000x128xf32>
    %get3A_16 = arith.constant 0 : index
    %get3A_17 = arith.constant 0 : index
    %get3A_18 = vector.load %arg3[%get3A_16, %get3A_17] : memref<128x40xf32, #tpu.memory_space<vmem>>, vector<128x40xf32>
    %dot_general3A = arith.constant dense<0.000000e+00> : vector<10000x40xf32>
    %dot_general3A_19 = tpu.matmul %get3A_15, %get3A_18, %dot_general3A {dimension_numbers = #tpu.dot_dimension_numbers<[1], [0], [0], [1], [0, 0, 1, 1], [], []>, transpose_lhs_hint = false} : vector<10000x128xf32>, vector<128x40xf32>, vector<10000x40xf32> -> vector<10000x40xf32>
    %add3A_20 = arith.addf %div3A_12, %dot_general3A_19 : vector<10000x40xf32>
    %get3A_21 = arith.constant 0 : index
    %get3A_22 = vector.load %arg4[%get3A_21] : memref<40xf32, #tpu.memory_space<vmem>>, vector<40xf32>
    %broadcast_in_dim3A = vector.shape_cast %get3A_22 : vector<40xf32> to vector<1x40xf32>
    %add3A_23 = vector.broadcast %broadcast_in_dim3A : vector<1x40xf32> to vector<10000x40xf32>
    %add3A_24 = arith.addf %add3A_20, %add3A_23 : vector<10000x40xf32>
    %reduce_max3A = arith.constant dense<0xFF800000> : vector<10000xf32>
    %reduce_max3A_25 = vector.multi_reduction <maximumf>, %add3A_24, %reduce_max3A [1] : vector<10000x40xf32> to vector<10000xf32>
    %broadcast_in_dim3A_26 = vector.shape_cast %reduce_max3A_25 : vector<10000xf32> to vector<10000x1xf32>
    %sub3A = vector.broadcast %broadcast_in_dim3A_26 : vector<10000x1xf32> to vector<10000x40xf32>
    %sub3A_27 = arith.subf %add3A_24, %sub3A : vector<10000x40xf32>
    %exp3A = math.exp %sub3A_27 : vector<10000x40xf32>
    %reduce_sum3A = arith.constant dense<0.000000e+00> : vector<10000xf32>
    %reduce_sum3A_28 = vector.multi_reduction <add>, %exp3A, %reduce_sum3A [1] : vector<10000x40xf32> to vector<10000xf32>
    %broadcast_in_dim3A_29 = vector.shape_cast %reduce_sum3A_28 : vector<10000xf32> to vector<10000x1xf32>
    %log3A = math.log %broadcast_in_dim3A_29 : vector<10000x1xf32>
    %sub3A_30 = vector.broadcast %log3A : vector<10000x1xf32> to vector<10000x40xf32>
    %sub3A_31 = arith.subf %sub3A_27, %sub3A_30 : vector<10000x40xf32>
    %swap3A = arith.constant 0 : index
    %swap3A_32 = arith.constant 0 : index
    %swap3A_33 = vector.load %arg5[%swap3A, %swap3A_32] : memref<10000x40xf32, #tpu.memory_space<vmem>>, vector<10000x40xf32>
    tpu.vector_store %arg5[%swap3A, %swap3A_32], %sub3A_31 {strides = array<i32>} : memref<10000x40xf32, #tpu.memory_space<vmem>>, vector<10000x40xf32>,
    return
  }
}

</mosaic_0001>

<sc_bundles>
// kernel: kernel.12.cloned.1.call-start
scs
__scs_entry_jumppad:
0x0: {  	(pc) =	sbr.rel $0x88, $3  }
0x1: {  	(tag) =	ssettag $0x0;
	lr =	simm.s32 $0x1  }
0x2: {  	[smem:$0x3F92] =	sst lr;
	_ =	strace $0xD0000000  }
0x3: {  	_ = 	snop  }
0x4: {  	_ = 	snop  }
0x5: {  	_ = 	snop  }
0x6: {  	_ = 	snop  }
0x7: {  	_ = 	snop  }
__scs_overlays_trampoline_lowered:
0x8: {  	[smem:$0x3FA1] =	sst s0  }
0x9: {  	[smem:$0x3FA2] =	sst s1  }
0xa: {  	[smem:$0x3FA3] =	sst s2  }
0xb: {  	[smem:$0x3FA4] =	sst s3  }
0xc: {  	[smem:$0x3FA5] =	sst s4  }
0xd: {  	[smem:$0x3FA6] =	sst s5  }
0xe: {  	[smem:$0x3FA7] =	sst s6  }
0xf: {  	[smem:$0x3FA8] =	sst s7  }
0x10: {  	[smem:$0x3FA9] =	sst s8  }
0x11: {  	[smem:$0x3FAA] =	sst s9;
	s0 =	simm.s32 @!p0 $0x0  }
0x12: {  	s1 =	sld [smem:$0x3F90];
	s0 =	simm.s32 @p0 $0x1  }
0x13: {  	[smem:$0x3FAB] =	sst s0;
	s0 =	simm.s32 @!p1 $0x0  }
0x14: {  	s2 =	sld [smem:$0x3F8F];
	s0 =	simm.s32 @p1 $0x1  }
0x15: {  	[smem:$0x3FAC] =	sst s0;
	s0 =	simm.s32 @!p2 $0x0  }
0x16: {  	s3 =	sld [smem:$0x3FDB];
	s0 =	simm.s32 @p2 $0x1  }
0x17: {  	s4 =	simm.s32 $0x1BF5;
	[smem:$0x3FAE] =	sst s0  }
0x18: {  	s0 =	sld [smem:$0x3F91];
	_ =	swait.ge [sflag:s4], $0x0  }
0x19: {  	s7 =	sld [smem:$0x3F92]  }
0x1a: {  	s8 =	sadd.s32 $0xFFFFE003, lr  }
0x1b: {  	s9 =	sadd.s32 $0xFFFFFEF7, lr;
	s5 =	simm.s32 $0xFFFFFFFF;
	p2 =	slt.u32 s8, $0xFFFFF086  }
0x1c: {  	p1 =	slt.u32 s9, $0xF7A;
	s5 =	simm.s32 @!p2 $0x0  }
0x1d: {  	s5 =	simm.s32 @p1 $0x1;
	p0 =	seq.s32 s7, s2  }
0x1e: {  	s7 =	smul.u32 @!p0 $0xF7A, s2;
	p2 =	seq.s32 @!p0 s5, $0x0  }
0x1f: {  	s9 =	smul.u32 $0xF7A, s1;
	s8 =	simm.s32 @!p0 $0x1BF5;
	p2 =	por !p2, p0  }
0x20: {  	[sflag:s8] =	ssyncset.s32 @!p0 $0xFFFFF086;
	s6 =	sadd.s32 @!p0 s3, s7;
	s7 =	simm.s32 @!p0 $0x108  }
0x21: {  	s3 =	sadd.s32 s3, s9;
	s6 =	sadd.s32 @!p0 $0x88, s6;
	s7 =	simm.s32 @p2 $0x1082  }
0x22: {  	[simem:s7], [sflag:s8] =	dma.local @!p0 [hbm:s6], $0xF7A  }
0x23: {  	s9 =	sor.u32 $0xD0000000, s2;
	s6 =	simm.s32 $0x108;
	_ =	swait.ge @!p0 [sflag:s8], $0x0  }
0x24: {  	s3 =	sadd.s32 $0x88, s3;
	s6 =	simm.s32 @!p1 $0x1082;
	[sflag:s4] =	ssyncset.s32 $0xFFFFF086  }
0x25: {  	[simem:s6], [sflag:s4] =	dma.local [hbm:s3], $0xF7A  }
0x26: {  	[smem:$0x3F92] =	sst s1;
	(tag) =	ssettag s2;
	_ =	strace s9  }
0x27: {  	s1 =	sld [smem:$0x3FA2]  }
0x28: {  	s2 =	sld [smem:$0x3FA3]  }
0x29: {  	s4 =	sld [smem:$0x3FA5]  }
0x2a: {  	p0 =	seq.s32 s5, $0x0;
	s5 =	sld [smem:$0x3FA6]  }
0x2b: {  	s6 =	sld [smem:$0x3FA7]  }
0x2c: {  	s7 =	sld [smem:$0x3FA8]  }
0x2d: {  	s3 =	simm.s32 $0x108;
	s8 =	sld [smem:$0x3FA9]  }
0x2e: {  	s3 =	simm.s32 @!p0 $0x1082;
	s9 =	sld [smem:$0x3FAA]  }
0x2f: {  	lr =	sadd.s32 s0, s3;
	s0 =	sld [smem:$0x3FA1]  }
0x30: {  	s3 =	sld [smem:$0x3FA4]  }
0x31: {  	[smem:$0x3FAD] =	sst s10  }
0x32: {  	s10 =	sld [smem:$0x3FAB];
	_ =	sdelay $0x3  }
0x33: {  	p0 =	seq.s32 s10, $0x1;
	s10 =	sld [smem:$0x3FAD];
	_ =	sdelay $0x3  }
0x34: {  	[smem:$0x3FAD] =	sst s10  }
0x35: {  	s10 =	sld [smem:$0x3FAC];
	_ =	sdelay $0x3  }
0x36: {  	p1 =	seq.s32 s10, $0x1;
	s10 =	sld [smem:$0x3FAD];
	_ =	sdelay $0x3  }
0x37: {  	[smem:$0x3FAD] =	sst s10  }
0x38: {  	s10 =	sld [smem:$0x3FAE]  }
0x39: {  	_ = 	snop;
	(pc) =	sbr.ind lr, $3  }
0x3a: {  	_ = 	snop  }
0x3b: {  	_ = 	snop  }
0x3c: {  	p2 =	seq.s32 s10, $0x1;
	s10 =	sld [smem:$0x3FAD]  }
0x3d: {  	_ =	shalt  }
0x3e: {  	_ =	shalt  }
0x3f: {  	_ =	shalt  }
0x40: {  	_ =	shalt  }
0x41: {  	_ =	shalt  }
0x42: {  	_ =	shalt  }
0x43: {  	_ =	shalt  }
0x44: {  	_ =	shalt  }
0x45: {  	_ =	shalt  }
0x46: {  	_ =	shalt  }
0x47: {  	_ =	shalt  }
0x48: {  	_ =	shalt  }
0x49: {  	_ =	shalt  }
0x4a: {  	_ =	shalt  }
0x4b: {  	_ =	shalt  }
0x4c: {  	_ =	shalt  }
0x4d: {  	_ =	shalt  }
0x4e: {  	_ =	shalt  }
0x4f: {  	_ =	shalt  }
0x50: {  	_ =	shalt  }
0x51: {  	_ =	shalt  }
0x52: {  	_ =	shalt  }
0x53: {  	_ =	shalt  }
0x54: {  	_ =	shalt  }
0x55: {  	_ =	shalt  }
0x56: {  	_ =	shalt  }
0x57: {  	_ =	shalt  }
0x58: {  	_ =	shalt  }
0x59: {  	_ =	shalt  }
0x5a: {  	_ =	shalt  }
0x5b: {  	_ =	shalt  }
0x5c: {  	_ =	shalt  }
0x5d: {  	_ =	shalt  }
0x5e: {  	_ =	shalt  }
0x5f: {  	_ =	shalt  }
0x60: {  	_ =	shalt  }
0x61: {  	_ =	shalt  }
0x62: {  	_ =	shalt  }
0x63: {  	_ =	shalt  }
0x64: {  	_ =	shalt  }
0x65: {  	_ =	shalt  }
0x66: {  	_ =	shalt  }
0x67: {  	_ =	shalt  }
0x68: {  	_ =	shalt  }
0x69: {  	_ =	shalt  }
0x6a: {  	_ =	shalt  }
0x6b: {  	_ =	shalt  }
0x6c: {  	_ =	shalt  }
0x6d: {  	_ =	shalt  }
0x6e: {  	_ =	shalt  }
0x6f: {  	_ =	shalt  }
0x70: {  	_ =	shalt  }
0x71: {  	_ =	shalt  }
0x72: {  	_ =	shalt  }
0x73: {  	_ =	shalt  }
0x74: {  	_ =	shalt  }
0x75: {  	_ =	shalt  }
0x76: {  	_ =	shalt  }
0x77: {  	_ =	shalt  }
0x78: {  	_ =	shalt  }
0x79: {  	_ =	shalt  }
0x7a: {  	_ =	shalt  }
0x7b: {  	_ =	shalt  }
0x7c: {  	_ =	shalt  }
0x7d: {  	_ =	shalt  }
0x7e: {  	_ =	shalt  }
0x7f: {  	_ =	shalt  }
0x80: {  	_ =	shalt  }
0x81: {  	_ =	shalt  }
0x82: {  	_ =	shalt  }
0x83: {  	_ =	shalt  }
0x84: {  	_ =	shalt  }
0x85: {  	_ =	shalt  }
0x86: {  	_ =	shalt  }
0x87: {  	_ =	shalt  }
.Lfunc_end0:
.L_simem_size_0:
called_computation.1_lowered:
.L_overlay_start_0:
0x88: {  	s2 =	sld [smem:$0x3FD9]  }
0x89: {  	s3 =	sld [smem:$0x3FFE];
	_ =	sdelay $0x1  }
0x8a: {  	s1 =	srdreg.scid  }
0x8b: {  	s0 =	sand.u32 $0x1, s1  }
0x8c: {  	s17 =	sshll.u32 s0, $0xA;
	s2 =	sadd.s32 s3, s2  }
0x8d: {  	s2 =	sadd.s32 s2, s17  }
0x8e: {  	[smem:$0x3FB9] =	sst s2  }
0x8f: {  	_ = 	snop  }
0x90: {  	s2 =	sld [smem:$0x3FD0];
	(tm) =	ssettm $0x1  }
0x91: {  	s18 =	sld [smem:$0x3FFB];
	_ =	sdelay $0x3  }
0x92: {  	_ =	strace s18  }
0x93: {  	s3 =	sld [smem:$0x3FFC];
	_ =	sdelay $0x3  }
0x94: {  	_ =	strace s3  }
0x95: {  	s3 =	sld [smem:$0x3FFD];
	_ =	sdelay $0x3  }
0x96: {  	_ =	strace s3  }
0x97: {  	_ =	strace $0x8FFFFFFF  }
0x98: {  	s19 =	sld [smem:$0x3FDB];
	_ =	sdelay $0x1  }
0x99: {  	s4 =	simm.s32 $_scs_section_size  }
0x9a: {  	s5 =	simm.s32 $_size__tile_overlayer_lowered;
	s6 =	simm.s32 $_tile_overlayer_lowered  }
0x9b: {  	s22 =	simm.s32 $0x1BFF;
	s21 =	sshll.u32 s6, $0x1;
	s3 =	sadd.s32 s4, s19  }
0x9c: {  	s7 =	simm.s32 $0x0;
	s20 =	sshll.u32 s5, $0x1;
	s5 =	sadd.s32 s21, s3  }
0x9d: {  	[timem:s7], [sflag:s22] =	dma.local [hbm:s5], s20  }
0x9e: {  	_ =	swait.ge [sflag:s22], s20  }
0x9f: {  	s4 =	ssub.s32 $0x0, s20;
	[sflag:s22] =	ssyncset.done $0x0  }
0xa0: {  	[sflag:s22] =	ssyncadd.s32 s4;
	_ =	sdelay $0x1  }
0xa1: {  	s23 =	simm.s32 $0x1B8B  }
0xa2: {  	_ =	swait.ge [sflag:s23], $0x1  }
0xa3: {  	[sflag:s23] =	ssyncset.done $0x0  }
0xa4: {  	s25 =	simm.s32 $0x1B8E;
	s24 =	sld [smem:$0x3FFE];
	[sflag:s23] =	ssyncadd.s32 $0xFFFFFFFF  }
0xa5: {  	s26 =	simm.s32 $execute0_lowered;
	[smem:$0x3FD2] =	sst s25  }
0xa6: {  	s5 =	sshll.u32 s26, $0x1;
	_ =	strace $0x80000049;
	[dreg:$0x1] =	wrdreg $0xFFFFFFFF  }
0xa7: {  	s28 =	simm.s32 $_size_execute0_lowered;
	s3 =	sadd.s32 s3, s5;
	[dreg:$0x0] =	wrdreg $0x0  }
0xa8: {  	s5 =	sshll.u32 s28, $0x1;
	[dreg:$0x2] =	wrdreg s3  }
0xa9: {  	[dreg:$0x3] =	wrdreg s5  }
0xaa: {  	[dreg:$0x4] =	wrdreg $0xC0  }
0xab: {  	_ =	task [dreg:s7], $0x5FFFF  }
0xac: {  	[dreg:$0x1] =	wrdreg $0xFFFFFFFF  }
0xad: {  	[dreg:$0x0] =	wrdreg $0x60  }
0xae: {  	[dreg:$0x2] =	wrdreg s24  }
0xaf: {  	[dreg:$0x3] =	wrdreg s2  }
0xb0: {  	[dreg:$0x4] =	wrdreg $0x8F000  }
0xb1: {  	[dreg:$0x5] =	wrdreg $0x9  }
0xb2: {  	_ =	task.clear_ibuf [dreg:s7], $0x6FFFF;
	_ =	strace $0x90000049  }
0xb3: {  	s29 =	simm.s32 $0x9;
	_ =	strace $0x8000004B  }
0xb4: {  	_ =	swait.ge [sflag:s29], $0x1  }
0xb5: {  	[sflag:s29] =	ssyncadd.s32 $0xFFFFFFFF  }
0xb6: {  	_ =	strace $0x9000004B  }
0xb7: {  	_ =	sfence  }
0xb8: {  	s30 =	sld [smem:$0x0];
	_ =	sdelay $0x2  }
0xb9: {  	s31 =	sshll.u32 s1, $0xD;
	s1 =	sshrl.u32 s1, $0x2  }
0xba: {  	s3 =	sand.u32 $0x4000, s31;
	s1 =	sadd.s32 s1, s30  }
0xbb: {  	s0 =	sor.u32 s3, s0;
	s1 =	sshll.u32 s1, $0x11  }
0xbc: {  	s0 =	sor.u32 s1, s0  }
0xbd: {  	s0 =	sadd.s32 $0x8F2B, s0  }
0xbe: {  	[sflag:s0] =	ssyncadd.remote.s32 $0x1  }
0xbf: {  	_ =	sfence.sel $0xFFFF  }
0xc0: {  	[dreg:$0x0] =	wrdreg $0xFFFFFFFF;
	(pc) =	sbr.abs _section_cstart, $3  }
0xc1: {  	[dreg:$0x1] =	wrdreg $0xFFFFFFFF  }
0xc2: {  	_ =	task.clear_ibuf [dreg:s7], $0x2FFFF;
	_ =	strace $0x9FFFFFFF  }
0xc3: {  	(tm) =	ssettm $0x7FFFFFFF  }
tec
execute0_lowered:
.L_overlay_start_1:
0x0: {  	(tag) =	ssettag $0x1  }
0x1: {  	s5 =	rddreg [dreg:$0x0]  }
0x2: {  	s6 =	rddreg [dreg:$0x1]  }
0x3: {  	s1 =	rddreg [dreg:$0x2];
	s2 =	srdreg.scid  }
0x4: {  	s0 =	rddreg [dreg:$0x3];
	s3 =	simm.s32 $0x0;
	s14 =	simm.s32 $0x4F00  }
0x5: {  	s15 =	simm.s32 $0x2;
	s16 =	simm.s32 $0x2780;
	s17 =	simm.s32 $0x80  }
0x6: {  	s18 =	simm.s32 $0x1;
	s7 =	sand.u32 $0x1, s2;
	s2 =	stileid.u32  }
0x7: {  	[smem:$0x7FF] =	sst s3;
	s4 =	sshll.u32 s7, $0x4;
	s8 =	smul.u32 $0x140000, s7  }
0x8: {  	s10 =	smul.u32 $0x14000, s2;
	_ =	strace $0x8000004A;
	s7 =	ssub.s32 $0x2, s7  }
0x9: {  	s11 =	smul.u32 $0x50000, s2;
	s19 =	sshll.u32 s2, $0x6;
	s9 =	sor.u32 s2, s4  }
0xa: {  	s4 =	sadd.s32 $0x2A00, s5;
	s13 =	sshrl.u32 s7, $0x1;
	s19 =	sor.u32 $0x1C02, s19  }
0xb: {  	s9 =	smul.u32 $0x4F0, s9;
	s8 =	sadd.s32 s10, s8;
	s13 =	ssub.s32 s7, s13  }
0xc: {  	s31 =	sshrl.u32 s11, $0x2;
	s20 =	sadd.s32 s10, s1;
	s8 =	sshrl.u32 s8, $0x3  }
0xd: {  	s20 =	sshrl.u32 s20, $0x3;
	s12 =	sadd.s32 s9, s5;
	s8 =	sadd.s32 s8, s5  }
0xe: {  	s5 =	sadd.s32 s31, s1;
	s6 =	sadd.s32 s6, s9;
	s9 =	smax.u32 s13, $0x1  }
0xf: {  	s7 =	sadd.s32 $0x2EA00, s12;
	s8 =	sadd.s32 $0x5FA00, s8;
	s10 =	sadd.s32 $0x4000, s5  }
0x10: {  	v0 =	vimm.f32 $0.0e+00;
	s11 =	sadd.s32 $0x8000, s5;
	s12 =	sadd.s32 $0xC000, s5;
	s13 =	sadd.s32 $0x10000, s5  }
.LBB2_1:
0x11: {  	s21 =	simm.s32 $0x0;
	s22 =	simm.s32 $0x200  }
.LBB2_2:
0x12: {  	p0 =	sne.s32 s22, $0xFE00;
	[tilespmem:s21+$0x4F70] =	vst v0  }
0x13: {  	[tilespmem:s21+$0x4F00] =	vst v0  }
0x14: {  	[tilespmem:s21+$0x4F10] =	vst v0  }
.Ltmp0:
0x15: {  	[tilespmem:s21+$0x4F20] =	vst v0;
	(pc) =	sbr.rel @p0 .LBB2_2-.Ltmp0, $4  }
0x16: {  	[tilespmem:s21+$0x4F30] =	vst v0  }
0x17: {  	[tilespmem:s21+$0x4F40] =	vst v0  }
0x18: {  	[tilespmem:s21+$0x4F50] =	vst v0  }
0x19: {  	[tilespmem:s21+$0x4F60] =	vst v0;
	s21 =	sshra.s32 s22, $0x2;
	s22 =	sadd.s32 $0x200, s22  }
0x1a: {  	[tilespmem:s21+$0x4F70] =	vst v0  }
0x1b: {  	[tilespmem:s21+$0x4F00] =	vst v0  }
0x1c: {  	[tilespmem:s21+$0x4F10] =	vst v0  }
0x1d: {  	[tilespmem:s21+$0x4F20] =	vst v0  }
0x1e: {  	[tilespmem:s21+$0x4F30] =	vst v0  }
0x1f: {  	[tilespmem:s21+$0x4F40] =	vst v0  }
0x20: {  	[tilespmem:s21+$0x4F50] =	vst v0  }
0x21: {  	[tilespmem:s21+$0x4F60] =	vst v0  }
0x22: {  	[spmem:s5] =	stream.linear.scatter [tilespmem:s14], [sflag:$0x2], $0x4000, $0x38;
	[tilespmem:$0x1CF00] =	vst v63  }
0x23: {  	_ =	swait.ge [sflag:s15], $0x4000  }
0x24: {  	[sflag:s15] =	ssyncset.done $0x0  }
0x25: {  	[sflag:s15] =	ssyncadd.s32 $0xFFFFC000  }
0x26: {  	[spmem:s10] =	stream.linear.scatter [tilespmem:s14], [sflag:$0x2], $0x4000, $0x38;
	[tilespmem:$0x1CF00] =	vst v63  }
0x27: {  	_ =	swait.ge [sflag:s15], $0x4000  }
0x28: {  	[sflag:s15] =	ssyncset.done $0x0  }
0x29: {  	[sflag:s15] =	ssyncadd.s32 $0xFFFFC000  }
0x2a: {  	[spmem:s11] =	stream.linear.scatter [tilespmem:s14], [sflag:$0x2], $0x4000, $0x38;
	[tilespmem:$0x1CF00] =	vst v63  }
0x2b: {  	_ =	swait.ge [sflag:s15], $0x4000  }
0x2c: {  	[sflag:s15] =	ssyncset.done $0x0  }
0x2d: {  	[sflag:s15] =	ssyncadd.s32 $0xFFFFC000  }
0x2e: {  	[spmem:s12] =	stream.linear.scatter [tilespmem:s14], [sflag:$0x2], $0x4000, $0x38;
	[tilespmem:$0x1CF00] =	vst v63  }
0x2f: {  	_ =	swait.ge [sflag:s15], $0x4000  }
0x30: {  	[sflag:s15] =	ssyncset.done $0x0  }
0x31: {  	[sflag:s15] =	ssyncadd.s32 $0xFFFFC000  }
0x32: {  	[spmem:s13] =	stream.linear.scatter [tilespmem:s14], [sflag:$0x2], $0x4000, $0x38;
	[tilespmem:$0x1CF00] =	vst v63  }
0x33: {  	_ =	swait.ge [sflag:s15], $0x4000  }
0x34: {  	[sflag:s15] =	ssyncset.done $0x0  }
0x35: {  	s29 =	simm.s32 $0x0;
	[sflag:s15] =	ssyncadd.s32 $0xFFFFC000  }
0x36: {  	[tilespmem:s29], [sflag:$0x2] =	stream.linear.gather [hbm4b:s6+s29], $0x2780, $0x38;
	[tilespmem:$0x1CF00] =	vst v63  }
0x37: {  	_ =	swait.ge [sflag:s15], $0x2780  }
0x38: {  	[sflag:s15] =	ssyncset.done $0x0  }
0x39: {  	[sflag:s15] =	ssyncadd.s32 $0xFFFFD880  }
0x3a: {  	[tilespmem:s16], [sflag:$0x2] =	stream.linear.gather [hbm4b:s7+s29], $0x2780, $0x38;
	[tilespmem:$0x1CF00] =	vst v63  }
0x3b: {  	_ =	swait.ge [sflag:s15], $0x2780  }
0x3c: {  	[sflag:s15] =	ssyncset.done $0x0  }
0x3d: {  	[sflag:s15] =	ssyncadd.s32 $0xFFFFD880  }
0x3e: {  	s30 =	simm.s32 $0x0;
	[bflag:$0x0] =	sbarrier.arrive $0xFFFF  }
0x3f: {  	[tilespmem:s14], [sflag:$0x1] =	stream.indirect.gather [hbm4b:s4+s17], $0x80, s30, s17, $0xb8;
	[tilespmem:$0x1CF00] =	vst v63  }
0x40: {  	_ =	swait.ge [sflag:s18], $0x4000  }
0x41: {  	[sflag:s18] =	ssyncset.done $0x0  }
0x42: {  	s31 =	simm.s32 $0x2780;
	[sflag:s18] =	ssyncadd.s32 $0xFFFFC000  }
0x43: {  	[spmem:s1] =	stream.indirect.scatter.add.f32 [tilespmem:s14], [sflag:$0x2], $0x80, s31, s17, $0xb8;
	[tilespmem:$0x1CF00] =	vst v63  }
0x44: {  	_ =	swait.ge [sflag:s15], $0x4000  }
0x45: {  	s21 =	simm.s32 $0x200;
	s22 =	simm.s32 $0x400;
	[sflag:s15] =	ssyncset.done $0x0  }
.LBB2_4:
0x46: {  	s23 =	sshra.s32 s21, $0x2  }
0x47: {  	[sflag:s15] =	ssyncadd.s32 $0xFFFFC000;
	s21 =	smov.u32 s22;
	s24 =	sadd.s32 $0x200, s22  }
0x48: {  	[tilespmem:s14], [sflag:$0x1] =	stream.indirect.gather [hbm4b:s4+s17], $0x80, s23, s17, $0xb8;
	[tilespmem:$0x1CF00] =	vst v63  }
0x49: {  	p0 =	sne.s32 s22, $0x9C00;
	_ =	swait.ge [sflag:s18], $0x4000  }
.Ltmp1:
0x4a: {  	[sflag:s18] =	ssyncset.done $0x0;
	(pc) =	sbr.rel @p0 .LBB2_4-.Ltmp1, $4  }
0x4b: {  	s22 =	sadd.s32 $0x2780, s23;
	[sflag:s18] =	ssyncadd.s32 $0xFFFFC000  }
0x4c: {  	[spmem:s1] =	stream.indirect.scatter.add.f32 [tilespmem:s14], [sflag:$0x2], $0x80, s22, s17, $0xb8;
	[tilespmem:$0x1CF00] =	vst v63  }
0x4d: {  	_ =	swait.ge [sflag:s15], $0x4000  }
0x4e: {  	s22 =	smov.u32 s24;
	[sflag:s15] =	ssyncset.done $0x0  }
0x4f: {  	s21 =	sshra.s32 s21, $0x2;
	[sflag:s15] =	ssyncadd.s32 $0xFFFFC000  }
0x50: {  	[tilespmem:s14], [sflag:$0x1] =	stream.indirect.gather [hbm4b:s4+s17], $0x80, s21, s17, $0xb8;
	[tilespmem:$0x1CF00] =	vst v63  }
0x51: {  	_ =	swait.ge [sflag:s18], $0x4000  }
0x52: {  	[sflag:s18] =	ssyncset.done $0x0  }
0x53: {  	s21 =	sadd.s32 $0x2780, s21;
	[sflag:s18] =	ssyncadd.s32 $0xFFFFC000  }
0x54: {  	[spmem:s1] =	stream.indirect.scatter.add.f32 [tilespmem:s14], [sflag:$0x2], $0x80, s21, s17, $0xb8;
	[tilespmem:$0x1CF00] =	vst v63  }
0x55: {  	_ =	swait.ge [sflag:s15], $0x4000  }
0x56: {  	s3 =	sadd.s32 $0x1, s3;
	[sflag:s15] =	ssyncset.done $0x0  }
0x57: {  	p0 =	sne.s32 s3, s9;
	[sflag:s15] =	ssyncadd.s32 $0xFFFFC000  }
.Ltmp2:
0x58: {  	[bflag:$0x0] =	sbarrier.arrive $0xFFFF;
	(pc) =	sbr.rel @p0 .LBB2_1-.Ltmp2, $4  }
0x59: {  	[hbm:s8], [sflag:s19] =	dma.local [spmem:s20], $0x2800  }
0x5a: {  	_ =	swait.ge [sflag:s15], $0x2800  }
0x5b: {  	[sflag:s15] =	ssyncset.done $0x0  }
0x5c: {  	[sflag:s15] =	ssyncadd.s32 $0xFFFFD800  }
0x5d: {  	_ =	sfence.sel $0x180000  }
0x5e: {  	[bflag:$0x0] =	sbarrier.arrive $0xFFFF  }
0x5f: {  	p0 =	sne.s32 s2, $0x0;
	_ =	strace $0x9000004A  }
0x60: {  	s0 =	sadd.s32 @!p0 $0x100000, s0;
	[bflag:$0x2] =	sbarrier.arrive $0xFFFF  }
0x61: {  	[sflag:s0] =	ssyncadd.tile.s32 @!p0 $0x1;
	_ =	shalt  }
.Lfunc_end2:
_tile_overlayer_lowered:
.L_overlay_start_2:
0x62: {  	(tag) =	ssettag $0x2  }
0x63: {  	s0 =	rddreg [dreg:$0x0];
	s2 =	stileid.u32  }
0x64: {  	s1 =	rddreg [dreg:$0x1];
	p0 =	sne.s32 s2, $0x0  }
0x65: {  	s3 =	rddreg [dreg:$0x2];
	[bflag:$0x3] =	sbarrier.arrive $0xFFFF;
	s2 =	simm.s32 @!p0 $0x1C02  }
0x66: {  	[timem:s3], [sflag:s2] =	dma.local @!p0 [hbm:s0], s1  }
0x67: {  	s0 =	simm.s32 @!p0 $0x2  }
0x68: {  	_ =	swait.ge @!p0 [sflag:s0], s1  }
0x69: {  	s1 =	ssub.s32 @!p0 $0x0, s1;
	[sflag:s0] =	ssyncset.done @!p0 $0x0  }
0x6a: {  	[sflag:s0] =	ssyncadd.s32 @!p0 s1  }
0x6b: {  	[bflag:$0x3] =	sbarrier.arrive $0xFFFF  }
0x6c: {  	_ =	shalt  }

// kernel: kernel.15.cloned.1.call-start
scs
__scs_entry_jumppad:
0x0: {  	(pc) =	sbr.rel $0x88, $3  }
0x1: {  	(tag) =	ssettag $0x0;
	lr =	simm.s32 $0x1  }
0x2: {  	[smem:$0x3F92] =	sst lr;
	_ =	strace $0xD0000000  }
0x3: {  	_ = 	snop  }
0x4: {  	_ = 	snop  }
0x5: {  	_ = 	snop  }
0x6: {  	_ = 	snop  }
0x7: {  	_ = 	snop  }
__scs_overlays_trampoline_lowered:
0x8: {  	[smem:$0x3FA1] =	sst s0  }
0x9: {  	[smem:$0x3FA2] =	sst s1  }
0xa: {  	[smem:$0x3FA3] =	sst s2  }
0xb: {  	[smem:$0x3FA4] =	sst s3  }
0xc: {  	[smem:$0x3FA5] =	sst s4  }
0xd: {  	[smem:$0x3FA6] =	sst s5  }
0xe: {  	[smem:$0x3FA7] =	sst s6  }
0xf: {  	[smem:$0x3FA8] =	sst s7  }
0x10: {  	[smem:$0x3FA9] =	sst s8  }
0x11: {  	[smem:$0x3FAA] =	sst s9;
	s0 =	simm.s32 @!p0 $0x0  }
0x12: {  	s1 =	sld [smem:$0x3F90];
	s0 =	simm.s32 @p0 $0x1  }
0x13: {  	[smem:$0x3FAB] =	sst s0;
	s0 =	simm.s32 @!p1 $0x0  }
0x14: {  	s2 =	sld [smem:$0x3F8F];
	s0 =	simm.s32 @p1 $0x1  }
0x15: {  	[smem:$0x3FAC] =	sst s0;
	s0 =	simm.s32 @!p2 $0x0  }
0x16: {  	s3 =	sld [smem:$0x3FDB];
	s0 =	simm.s32 @p2 $0x1  }
0x17: {  	s4 =	simm.s32 $0x1BF5;
	[smem:$0x3FAE] =	sst s0  }
0x18: {  	s0 =	sld [smem:$0x3F91];
	_ =	swait.ge [sflag:s4], $0x0  }
0x19: {  	s7 =	sld [smem:$0x3F92]  }
0x1a: {  	s8 =	sadd.s32 $0xFFFFE003, lr  }
0x1b: {  	s9 =	sadd.s32 $0xFFFFFEF7, lr;
	s5 =	simm.s32 $0xFFFFFFFF;
	p2 =	slt.u32 s8, $0xFFFFF086  }
0x1c: {  	p1 =	slt.u32 s9, $0xF7A;
	s5 =	simm.s32 @!p2 $0x0  }
0x1d: {  	s5 =	simm.s32 @p1 $0x1;
	p0 =	seq.s32 s7, s2  }
0x1e: {  	s7 =	smul.u32 @!p0 $0xF7A, s2;
	p2 =	seq.s32 @!p0 s5, $0x0  }
0x1f: {  	s9 =	smul.u32 $0xF7A, s1;
	s8 =	simm.s32 @!p0 $0x1BF5;
	p2 =	por !p2, p0  }
0x20: {  	[sflag:s8] =	ssyncset.s32 @!p0 $0xFFFFF086;
	s6 =	sadd.s32 @!p0 s3, s7;
	s7 =	simm.s32 @!p0 $0x108  }
0x21: {  	s3 =	sadd.s32 s3, s9;
	s6 =	sadd.s32 @!p0 $0x88, s6;
	s7 =	simm.s32 @p2 $0x1082  }
0x22: {  	[simem:s7], [sflag:s8] =	dma.local @!p0 [hbm:s6], $0xF7A  }
0x23: {  	s9 =	sor.u32 $0xD0000000, s2;
	s6 =	simm.s32 $0x108;
	_ =	swait.ge @!p0 [sflag:s8], $0x0  }
0x24: {  	s3 =	sadd.s32 $0x88, s3;
	s6 =	simm.s32 @!p1 $0x1082;
	[sflag:s4] =	ssyncset.s32 $0xFFFFF086  }
0x25: {  	[simem:s6], [sflag:s4] =	dma.local [hbm:s3], $0xF7A  }
0x26: {  	[smem:$0x3F92] =	sst s1;
	(tag) =	ssettag s2;
	_ =	strace s9  }
0x27: {  	s1 =	sld [smem:$0x3FA2]  }
0x28: {  	s2 =	sld [smem:$0x3FA3]  }
0x29: {  	s4 =	sld [smem:$0x3FA5]  }
0x2a: {  	p0 =	seq.s32 s5, $0x0;
	s5 =	sld [smem:$0x3FA6]  }
0x2b: {  	s6 =	sld [smem:$0x3FA7]  }
0x2c: {  	s7 =	sld [smem:$0x3FA8]  }
0x2d: {  	s3 =	simm.s32 $0x108;
	s8 =	sld [smem:$0x3FA9]  }
0x2e: {  	s3 =	simm.s32 @!p0 $0x1082;
	s9 =	sld [smem:$0x3FAA]  }
0x2f: {  	lr =	sadd.s32 s0, s3;
	s0 =	sld [smem:$0x3FA1]  }
0x30: {  	s3 =	sld [smem:$0x3FA4]  }
0x31: {  	[smem:$0x3FAD] =	sst s10  }
0x32: {  	s10 =	sld [smem:$0x3FAB];
	_ =	sdelay $0x3  }
0x33: {  	p0 =	seq.s32 s10, $0x1;
	s10 =	sld [smem:$0x3FAD];
	_ =	sdelay $0x3  }
0x34: {  	[smem:$0x3FAD] =	sst s10  }
0x35: {  	s10 =	sld [smem:$0x3FAC];
	_ =	sdelay $0x3  }
0x36: {  	p1 =	seq.s32 s10, $0x1;
	s10 =	sld [smem:$0x3FAD];
	_ =	sdelay $0x3  }
0x37: {  	[smem:$0x3FAD] =	sst s10  }
0x38: {  	s10 =	sld [smem:$0x3FAE]  }
0x39: {  	_ = 	snop;
	(pc) =	sbr.ind lr, $3  }
0x3a: {  	_ = 	snop  }
0x3b: {  	_ = 	snop  }
0x3c: {  	p2 =	seq.s32 s10, $0x1;
	s10 =	sld [smem:$0x3FAD]  }
0x3d: {  	_ =	shalt  }
0x3e: {  	_ =	shalt  }
0x3f: {  	_ =	shalt  }
0x40: {  	_ =	shalt  }
0x41: {  	_ =	shalt  }
0x42: {  	_ =	shalt  }
0x43: {  	_ =	shalt  }
0x44: {  	_ =	shalt  }
0x45: {  	_ =	shalt  }
0x46: {  	_ =	shalt  }
0x47: {  	_ =	shalt  }
0x48: {  	_ =	shalt  }
0x49: {  	_ =	shalt  }
0x4a: {  	_ =	shalt  }
0x4b: {  	_ =	shalt  }
0x4c: {  	_ =	shalt  }
0x4d: {  	_ =	shalt  }
0x4e: {  	_ =	shalt  }
0x4f: {  	_ =	shalt  }
0x50: {  	_ =	shalt  }
0x51: {  	_ =	shalt  }
0x52: {  	_ =	shalt  }
0x53: {  	_ =	shalt  }
0x54: {  	_ =	shalt  }
0x55: {  	_ =	shalt  }
0x56: {  	_ =	shalt  }
0x57: {  	_ =	shalt  }
0x58: {  	_ =	shalt  }
0x59: {  	_ =	shalt  }
0x5a: {  	_ =	shalt  }
0x5b: {  	_ =	shalt  }
0x5c: {  	_ =	shalt  }
0x5d: {  	_ =	shalt  }
0x5e: {  	_ =	shalt  }
0x5f: {  	_ =	shalt  }
0x60: {  	_ =	shalt  }
0x61: {  	_ =	shalt  }
0x62: {  	_ =	shalt  }
0x63: {  	_ =	shalt  }
0x64: {  	_ =	shalt  }
0x65: {  	_ =	shalt  }
0x66: {  	_ =	shalt  }
0x67: {  	_ =	shalt  }
0x68: {  	_ =	shalt  }
0x69: {  	_ =	shalt  }
0x6a: {  	_ =	shalt  }
0x6b: {  	_ =	shalt  }
0x6c: {  	_ =	shalt  }
0x6d: {  	_ =	shalt  }
0x6e: {  	_ =	shalt  }
0x6f: {  	_ =	shalt  }
0x70: {  	_ =	shalt  }
0x71: {  	_ =	shalt  }
0x72: {  	_ =	shalt  }
0x73: {  	_ =	shalt  }
0x74: {  	_ =	shalt  }
0x75: {  	_ =	shalt  }
0x76: {  	_ =	shalt  }
0x77: {  	_ =	shalt  }
0x78: {  	_ =	shalt  }
0x79: {  	_ =	shalt  }
0x7a: {  	_ =	shalt  }
0x7b: {  	_ =	shalt  }
0x7c: {  	_ =	shalt  }
0x7d: {  	_ =	shalt  }
0x7e: {  	_ =	shalt  }
0x7f: {  	_ =	shalt  }
0x80: {  	_ =	shalt  }
0x81: {  	_ =	shalt  }
0x82: {  	_ =	shalt  }
0x83: {  	_ =	shalt  }
0x84: {  	_ =	shalt  }
0x85: {  	_ =	shalt  }
0x86: {  	_ =	shalt  }
0x87: {  	_ =	shalt  }
.Lfunc_end0:
.L_simem_size_0:
called_computation.2_lowered:
.L_overlay_start_0:
0x88: {  	s2 =	sld [smem:$0x3FD9]  }
0x89: {  	s3 =	sld [smem:$0x3FFE];
	_ =	sdelay $0x1  }
0x8a: {  	s1 =	srdreg.scid  }
0x8b: {  	s0 =	sand.u32 $0x1, s1  }
0x8c: {  	s17 =	sshll.u32 s0, $0xA;
	s2 =	sadd.s32 s3, s2  }
0x8d: {  	s2 =	sadd.s32 s2, s17  }
0x8e: {  	[smem:$0x3FB9] =	sst s2  }
0x8f: {  	_ = 	snop  }
0x90: {  	s2 =	sld [smem:$0x3FD0];
	(tm) =	ssettm $0x1  }
0x91: {  	s18 =	sld [smem:$0x3FFB];
	_ =	sdelay $0x3  }
0x92: {  	_ =	strace s18  }
0x93: {  	s3 =	sld [smem:$0x3FFC];
	_ =	sdelay $0x3  }
0x94: {  	_ =	strace s3  }
0x95: {  	s3 =	sld [smem:$0x3FFD];
	_ =	sdelay $0x3  }
0x96: {  	_ =	strace s3  }
0x97: {  	_ =	strace $0x8FFFFFFF  }
0x98: {  	s19 =	sld [smem:$0x3FDB];
	_ =	sdelay $0x1  }
0x99: {  	s4 =	simm.s32 $_scs_section_size  }
0x9a: {  	s5 =	simm.s32 $_size__tile_overlayer_lowered;
	s6 =	simm.s32 $_tile_overlayer_lowered  }
0x9b: {  	s22 =	simm.s32 $0x1BFF;
	s21 =	sshll.u32 s6, $0x1;
	s3 =	sadd.s32 s4, s19  }
0x9c: {  	s7 =	simm.s32 $0x0;
	s20 =	sshll.u32 s5, $0x1;
	s5 =	sadd.s32 s21, s3  }
0x9d: {  	[timem:s7], [sflag:s22] =	dma.local [hbm:s5], s20  }
0x9e: {  	_ =	swait.ge [sflag:s22], s20  }
0x9f: {  	s4 =	ssub.s32 $0x0, s20;
	[sflag:s22] =	ssyncset.done $0x0  }
0xa0: {  	[sflag:s22] =	ssyncadd.s32 s4;
	_ =	sdelay $0x1  }
0xa1: {  	s23 =	simm.s32 $0x1B8B  }
0xa2: {  	_ =	swait.ge [sflag:s23], $0x1  }
0xa3: {  	[sflag:s23] =	ssyncset.done $0x0  }
0xa4: {  	s25 =	simm.s32 $0x1B8E;
	s24 =	sld [smem:$0x3FFE];
	[sflag:s23] =	ssyncadd.s32 $0xFFFFFFFF  }
0xa5: {  	s26 =	simm.s32 $execute0_lowered;
	[smem:$0x3FD2] =	sst s25  }
0xa6: {  	s5 =	sshll.u32 s26, $0x1;
	_ =	strace $0x8000004C;
	[dreg:$0x1] =	wrdreg $0xFFFFFFFF  }
0xa7: {  	s28 =	simm.s32 $_size_execute0_lowered;
	s3 =	sadd.s32 s3, s5;
	[dreg:$0x0] =	wrdreg $0x0  }
0xa8: {  	s5 =	sshll.u32 s28, $0x1;
	[dreg:$0x2] =	wrdreg s3  }
0xa9: {  	[dreg:$0x3] =	wrdreg s5  }
0xaa: {  	[dreg:$0x4] =	wrdreg $0xC0  }
0xab: {  	_ =	task [dreg:s7], $0x5FFFF  }
0xac: {  	[dreg:$0x1] =	wrdreg $0xFFFFFFFF  }
0xad: {  	[dreg:$0x0] =	wrdreg $0x60  }
0xae: {  	[dreg:$0x2] =	wrdreg s24  }
0xaf: {  	[dreg:$0x3] =	wrdreg s2  }
0xb0: {  	[dreg:$0x4] =	wrdreg $0x67000  }
0xb1: {  	[dreg:$0x5] =	wrdreg $0x9  }
0xb2: {  	_ =	task.clear_ibuf [dreg:s7], $0x6FFFF;
	_ =	strace $0x9000004C  }
0xb3: {  	s29 =	simm.s32 $0x9;
	_ =	strace $0x8000004E  }
0xb4: {  	_ =	swait.ge [sflag:s29], $0x1  }
0xb5: {  	[sflag:s29] =	ssyncadd.s32 $0xFFFFFFFF  }
0xb6: {  	_ =	strace $0x9000004E  }
0xb7: {  	_ =	sfence  }
0xb8: {  	s30 =	sld [smem:$0x0];
	_ =	sdelay $0x2  }
0xb9: {  	s31 =	sshll.u32 s1, $0xD;
	s1 =	sshrl.u32 s1, $0x2  }
0xba: {  	s3 =	sand.u32 $0x4000, s31;
	s1 =	sadd.s32 s1, s30  }
0xbb: {  	s0 =	sor.u32 s3, s0;
	s1 =	sshll.u32 s1, $0x11  }
0xbc: {  	s0 =	sor.u32 s1, s0  }
0xbd: {  	s0 =	sadd.s32 $0x8F2B, s0  }
0xbe: {  	[sflag:s0] =	ssyncadd.remote.s32 $0x1  }
0xbf: {  	_ =	sfence.sel $0xFFFF  }
0xc0: {  	[dreg:$0x0] =	wrdreg $0xFFFFFFFF;
	(pc) =	sbr.abs _section_cstart, $3  }
0xc1: {  	[dreg:$0x1] =	wrdreg $0xFFFFFFFF  }
0xc2: {  	_ =	task.clear_ibuf [dreg:s7], $0x2FFFF;
	_ =	strace $0x9FFFFFFF  }
0xc3: {  	(tm) =	ssettm $0x7FFFFFFF  }
tec
execute0_lowered:
.L_overlay_start_1:
0x0: {  	(tag) =	ssettag $0x1  }
0x1: {  	s6 =	rddreg [dreg:$0x0]  }
0x2: {  	s7 =	rddreg [dreg:$0x1]  }
0x3: {  	s0 =	srdreg.scid;
	s2 =	rddreg [dreg:$0x2]  }
0x4: {  	s3 =	simm.s32 $0x0;
	s14 =	simm.s32 $0x4F00;
	s15 =	simm.s32 $0x2  }
0x5: {  	s16 =	simm.s32 $0x2780;
	s17 =	simm.s32 $0x80;
	s5 =	sand.u32 $0x1, s0  }
0x6: {  	s18 =	simm.s32 $0x1;
	s0 =	stileid.u32;
	s9 =	smul.u32 $0x78000, s5  }
0x7: {  	[smem:$0x7FF] =	sst s3;
	s4 =	sadd.s32 $0x2A00, s6;
	s10 =	smul.u32 $0x7800, s0  }
0x8: {  	s1 =	sshll.u32 s5, $0x4;
	s5 =	ssub.s32 $0x2, s5;
	s13 =	smul.u32 $0x1E000, s0  }
0x9: {  	s19 =	sshll.u32 s0, $0x6;
	s1 =	sor.u32 s0, s1;
	s12 =	sshrl.u32 s5, $0x1  }
0xa: {  	s19 =	sor.u32 $0x1C02, s19;
	s8 =	smul.u32 $0x4F0, s1;
	s1 =	rddreg [dreg:$0x3]  }
0xb: {  	_ =	strace $0x8000004D;
	s9 =	sadd.s32 s10, s9;
	s12 =	ssub.s32 s5, s12  }
0xc: {  	s31 =	sshrl.u32 s13, $0x2;
	s20 =	sadd.s32 s10, s2;
	s9 =	sshrl.u32 s9, $0x3  }
0xd: {  	s20 =	sshrl.u32 s20, $0x3;
	s11 =	sadd.s32 s8, s6;
	s9 =	sadd.s32 s9, s6  }
0xe: {  	s5 =	sadd.s32 s7, s8;
	s7 =	sadd.s32 $0x38800, s9;
	s9 =	sadd.s32 s31, s2  }
0xf: {  	s8 =	smax.u32 s12, $0x1;
	s6 =	sadd.s32 $0x2EA00, s11;
	s10 =	sadd.s32 $0x1800, s9  }
0x10: {  	v0 =	vimm.f32 $0.0e+00;
	s11 =	sadd.s32 $0x3000, s9;
	s12 =	sadd.s32 $0x4800, s9;
	s13 =	sadd.s32 $0x6000, s9  }
.LBB2_1:
0x11: {  	s21 =	simm.s32 $0xC0;
	s22 =	simm.s32 $0x0  }
.LBB2_2:
0x12: {  	p0 =	sne.s32 s21, $0x5F40;
	[tilespmem:s22+$0x4F20] =	vst v0;
	s23 =	smov.u32 s21;
	s21 =	sadd.s32 $0xC0, s21  }
.Ltmp0:
0x13: {  	[tilespmem:s22+$0x4F00] =	vst v0;
	(pc) =	sbr.rel @p0 .LBB2_2-.Ltmp0, $2  }
0x14: {  	[tilespmem:s22+$0x4F10] =	vst v0;
	_ =	sdelay $0x2  }
0x15: {  	s22 =	sshra.s32 s23, $0x2  }
0x16: {  	[tilespmem:s22+$0x4F20] =	vst v0  }
0x17: {  	[tilespmem:s22+$0x4F00] =	vst v0  }
0x18: {  	[tilespmem:s22+$0x4F10] =	vst v0  }
0x19: {  	[spmem:s9] =	stream.linear.scatter [tilespmem:s14], [sflag:$0x2], $0x1800, $0x38;
	[tilespmem:$0xDF00] =	vst v63  }
0x1a: {  	_ =	swait.ge [sflag:s15], $0x1800  }
0x1b: {  	[sflag:s15] =	ssyncset.done $0x0  }
0x1c: {  	[sflag:s15] =	ssyncadd.s32 $0xFFFFE800  }
0x1d: {  	[spmem:s10] =	stream.linear.scatter [tilespmem:s14], [sflag:$0x2], $0x1800, $0x38;
	[tilespmem:$0xDF00] =	vst v63  }
0x1e: {  	_ =	swait.ge [sflag:s15], $0x1800  }
0x1f: {  	[sflag:s15] =	ssyncset.done $0x0  }
0x20: {  	[sflag:s15] =	ssyncadd.s32 $0xFFFFE800  }
0x21: {  	[spmem:s11] =	stream.linear.scatter [tilespmem:s14], [sflag:$0x2], $0x1800, $0x38;
	[tilespmem:$0xDF00] =	vst v63  }
0x22: {  	_ =	swait.ge [sflag:s15], $0x1800  }
0x23: {  	[sflag:s15] =	ssyncset.done $0x0  }
0x24: {  	[sflag:s15] =	ssyncadd.s32 $0xFFFFE800  }
0x25: {  	[spmem:s12] =	stream.linear.scatter [tilespmem:s14], [sflag:$0x2], $0x1800, $0x38;
	[tilespmem:$0xDF00] =	vst v63  }
0x26: {  	_ =	swait.ge [sflag:s15], $0x1800  }
0x27: {  	[sflag:s15] =	ssyncset.done $0x0  }
0x28: {  	[sflag:s15] =	ssyncadd.s32 $0xFFFFE800  }
0x29: {  	[spmem:s13] =	stream.linear.scatter [tilespmem:s14], [sflag:$0x2], $0x1800, $0x38;
	[tilespmem:$0xDF00] =	vst v63  }
0x2a: {  	_ =	swait.ge [sflag:s15], $0x1800  }
0x2b: {  	[sflag:s15] =	ssyncset.done $0x0  }
0x2c: {  	s21 =	simm.s32 $0x0;
	[sflag:s15] =	ssyncadd.s32 $0xFFFFE800  }
0x2d: {  	[tilespmem:s21], [sflag:$0x2] =	stream.linear.gather [hbm4b:s5+s21], $0x2780, $0x38;
	[tilespmem:$0xDF00] =	vst v63  }
0x2e: {  	_ =	swait.ge [sflag:s15], $0x2780  }
0x2f: {  	[sflag:s15] =	ssyncset.done $0x0  }
0x30: {  	[sflag:s15] =	ssyncadd.s32 $0xFFFFD880  }
0x31: {  	[tilespmem:s16], [sflag:$0x2] =	stream.linear.gather [hbm4b:s6+s21], $0x2780, $0x38;
	[tilespmem:$0xDF00] =	vst v63  }
0x32: {  	_ =	swait.ge [sflag:s15], $0x2780  }
0x33: {  	[sflag:s15] =	ssyncset.done $0x0  }
0x34: {  	[sflag:s15] =	ssyncadd.s32 $0xFFFFD880  }
0x35: {  	s30 =	simm.s32 $0x0;
	[bflag:$0x0] =	sbarrier.arrive $0xFFFF  }
0x36: {  	[tilespmem:s14], [sflag:$0x1] =	stream.indirect.gather [hbm4b:s4+s17], $0x30, s30, s17, $0xb8;
	[tilespmem:$0xDF00] =	vst v63  }
0x37: {  	_ =	swait.ge [sflag:s18], $0x1800  }
0x38: {  	[sflag:s18] =	ssyncset.done $0x0  }
0x39: {  	s31 =	simm.s32 $0x2780;
	[sflag:s18] =	ssyncadd.s32 $0xFFFFE800  }
0x3a: {  	[spmem:s2] =	stream.indirect.scatter.add.f32 [tilespmem:s14], [sflag:$0x2], $0x30, s31, s17, $0xb8;
	[tilespmem:$0xDF00] =	vst v63  }
0x3b: {  	_ =	swait.ge [sflag:s15], $0x1800  }
0x3c: {  	s22 =	simm.s32 $0x400;
	s21 =	simm.s32 $0x200;
	[sflag:s15] =	ssyncset.done $0x0  }
.LBB2_4:
0x3d: {  	s23 =	sshra.s32 s21, $0x2  }
0x3e: {  	[sflag:s15] =	ssyncadd.s32 $0xFFFFE800;
	s21 =	smov.u32 s22;
	s24 =	sadd.s32 $0x200, s22  }
0x3f: {  	[tilespmem:s14], [sflag:$0x1] =	stream.indirect.gather [hbm4b:s4+s17], $0x30, s23, s17, $0xb8;
	[tilespmem:$0xDF00] =	vst v63  }
0x40: {  	p0 =	sne.s32 s22, $0x9C00;
	_ =	swait.ge [sflag:s18], $0x1800  }
.Ltmp1:
0x41: {  	[sflag:s18] =	ssyncset.done $0x0;
	(pc) =	sbr.rel @p0 .LBB2_4-.Ltmp1, $4  }
0x42: {  	s22 =	sadd.s32 $0x2780, s23;
	[sflag:s18] =	ssyncadd.s32 $0xFFFFE800  }
0x43: {  	[spmem:s2] =	stream.indirect.scatter.add.f32 [tilespmem:s14], [sflag:$0x2], $0x30, s22, s17, $0xb8;
	[tilespmem:$0xDF00] =	vst v63  }
0x44: {  	_ =	swait.ge [sflag:s15], $0x1800  }
0x45: {  	s22 =	smov.u32 s24;
	[sflag:s15] =	ssyncset.done $0x0  }
0x46: {  	s21 =	sshra.s32 s21, $0x2;
	[sflag:s15] =	ssyncadd.s32 $0xFFFFE800  }
0x47: {  	[tilespmem:s14], [sflag:$0x1] =	stream.indirect.gather [hbm4b:s4+s17], $0x30, s21, s17, $0xb8;
	[tilespmem:$0xDF00] =	vst v63  }
0x48: {  	_ =	swait.ge [sflag:s18], $0x1800  }
0x49: {  	[sflag:s18] =	ssyncset.done $0x0  }
0x4a: {  	s21 =	sadd.s32 $0x2780, s21;
	[sflag:s18] =	ssyncadd.s32 $0xFFFFE800  }
0x4b: {  	[spmem:s2] =	stream.indirect.scatter.add.f32 [tilespmem:s14], [sflag:$0x2], $0x30, s21, s17, $0xb8;
	[tilespmem:$0xDF00] =	vst v63  }
0x4c: {  	_ =	swait.ge [sflag:s15], $0x1800  }
0x4d: {  	s3 =	sadd.s32 $0x1, s3;
	[sflag:s15] =	ssyncset.done $0x0  }
0x4e: {  	p0 =	sne.s32 s3, s8;
	[sflag:s15] =	ssyncadd.s32 $0xFFFFE800  }
.Ltmp2:
0x4f: {  	[bflag:$0x0] =	sbarrier.arrive $0xFFFF;
	(pc) =	sbr.rel @p0 .LBB2_1-.Ltmp2, $4  }
0x50: {  	[hbm:s7], [sflag:s19] =	dma.local [spmem:s20], $0xF00  }
0x51: {  	_ =	swait.ge [sflag:s15], $0xF00  }
0x52: {  	[sflag:s15] =	ssyncset.done $0x0  }
0x53: {  	[sflag:s15] =	ssyncadd.s32 $0xFFFFF100  }
0x54: {  	_ =	sfence.sel $0x180000  }
0x55: {  	[bflag:$0x0] =	sbarrier.arrive $0xFFFF  }
0x56: {  	p0 =	sne.s32 s0, $0x0;
	_ =	strace $0x9000004D  }
0x57: {  	s0 =	sadd.s32 @!p0 $0x100000, s1;
	[bflag:$0x2] =	sbarrier.arrive $0xFFFF  }
0x58: {  	[sflag:s0] =	ssyncadd.tile.s32 @!p0 $0x1;
	_ =	shalt  }
.Lfunc_end2:
_tile_overlayer_lowered:
.L_overlay_start_2:
0x59: {  	(tag) =	ssettag $0x2  }
0x5a: {  	s0 =	rddreg [dreg:$0x0];
	s2 =	stileid.u32  }
0x5b: {  	s1 =	rddreg [dreg:$0x1];
	p0 =	sne.s32 s2, $0x0  }
0x5c: {  	s3 =	rddreg [dreg:$0x2];
	[bflag:$0x3] =	sbarrier.arrive $0xFFFF;
	s2 =	simm.s32 @!p0 $0x1C02  }
0x5d: {  	[timem:s3], [sflag:s2] =	dma.local @!p0 [hbm:s0], s1  }
0x5e: {  	s0 =	simm.s32 @!p0 $0x2  }
0x5f: {  	_ =	swait.ge @!p0 [sflag:s0], s1  }
0x60: {  	s1 =	ssub.s32 @!p0 $0x0, s1;
	[sflag:s0] =	ssyncset.done @!p0 $0x0  }
0x61: {  	[sflag:s0] =	ssyncadd.s32 @!p0 s1  }
0x62: {  	[bflag:$0x3] =	sbarrier.arrive $0xFFFF  }
0x63: {  	_ =	shalt  }

// kernel: kernel.9.cloned.1.call-start
scs
__scs_entry_jumppad:
0x0: {  	(pc) =	sbr.rel $0x88, $3  }
0x1: {  	(tag) =	ssettag $0x0;
	lr =	simm.s32 $0x1  }
0x2: {  	[smem:$0x3F92] =	sst lr;
	_ =	strace $0xD0000000  }
0x3: {  	_ = 	snop  }
0x4: {  	_ = 	snop  }
0x5: {  	_ = 	snop  }
0x6: {  	_ = 	snop  }
0x7: {  	_ = 	snop  }
__scs_overlays_trampoline_lowered:
0x8: {  	[smem:$0x3FA1] =	sst s0  }
0x9: {  	[smem:$0x3FA2] =	sst s1  }
0xa: {  	[smem:$0x3FA3] =	sst s2  }
0xb: {  	[smem:$0x3FA4] =	sst s3  }
0xc: {  	[smem:$0x3FA5] =	sst s4  }
0xd: {  	[smem:$0x3FA6] =	sst s5  }
0xe: {  	[smem:$0x3FA7] =	sst s6  }
0xf: {  	[smem:$0x3FA8] =	sst s7  }
0x10: {  	[smem:$0x3FA9] =	sst s8  }
0x11: {  	[smem:$0x3FAA] =	sst s9;
	s0 =	simm.s32 @!p0 $0x0  }
0x12: {  	s1 =	sld [smem:$0x3F90];
	s0 =	simm.s32 @p0 $0x1  }
0x13: {  	[smem:$0x3FAB] =	sst s0;
	s0 =	simm.s32 @!p1 $0x0  }
0x14: {  	s2 =	sld [smem:$0x3F8F];
	s0 =	simm.s32 @p1 $0x1  }
0x15: {  	[smem:$0x3FAC] =	sst s0;
	s0 =	simm.s32 @!p2 $0x0  }
0x16: {  	s3 =	sld [smem:$0x3FDB];
	s0 =	simm.s32 @p2 $0x1  }
0x17: {  	s4 =	simm.s32 $0x1BF5;
	[smem:$0x3FAE] =	sst s0  }
0x18: {  	s0 =	sld [smem:$0x3F91];
	_ =	swait.ge [sflag:s4], $0x0  }
0x19: {  	s7 =	sld [smem:$0x3F92]  }
0x1a: {  	s8 =	sadd.s32 $0xFFFFE003, lr  }
0x1b: {  	s9 =	sadd.s32 $0xFFFFFEF7, lr;
	s5 =	simm.s32 $0xFFFFFFFF;
	p2 =	slt.u32 s8, $0xFFFFF086  }
0x1c: {  	p1 =	slt.u32 s9, $0xF7A;
	s5 =	simm.s32 @!p2 $0x0  }
0x1d: {  	s5 =	simm.s32 @p1 $0x1;
	p0 =	seq.s32 s7, s2  }
0x1e: {  	s7 =	smul.u32 @!p0 $0xF7A, s2;
	p2 =	seq.s32 @!p0 s5, $0x0  }
0x1f: {  	s9 =	smul.u32 $0xF7A, s1;
	s8 =	simm.s32 @!p0 $0x1BF5;
	p2 =	por !p2, p0  }
0x20: {  	[sflag:s8] =	ssyncset.s32 @!p0 $0xFFFFF086;
	s6 =	sadd.s32 @!p0 s3, s7;
	s7 =	simm.s32 @!p0 $0x108  }
0x21: {  	s3 =	sadd.s32 s3, s9;
	s6 =	sadd.s32 @!p0 $0x88, s6;
	s7 =	simm.s32 @p2 $0x1082  }
0x22: {  	[simem:s7], [sflag:s8] =	dma.local @!p0 [hbm:s6], $0xF7A  }
0x23: {  	s9 =	sor.u32 $0xD0000000, s2;
	s6 =	simm.s32 $0x108;
	_ =	swait.ge @!p0 [sflag:s8], $0x0  }
0x24: {  	s3 =	sadd.s32 $0x88, s3;
	s6 =	simm.s32 @!p1 $0x1082;
	[sflag:s4] =	ssyncset.s32 $0xFFFFF086  }
0x25: {  	[simem:s6], [sflag:s4] =	dma.local [hbm:s3], $0xF7A  }
0x26: {  	[smem:$0x3F92] =	sst s1;
	(tag) =	ssettag s2;
	_ =	strace s9  }
0x27: {  	s1 =	sld [smem:$0x3FA2]  }
0x28: {  	s2 =	sld [smem:$0x3FA3]  }
0x29: {  	s4 =	sld [smem:$0x3FA5]  }
0x2a: {  	p0 =	seq.s32 s5, $0x0;
	s5 =	sld [smem:$0x3FA6]  }
0x2b: {  	s6 =	sld [smem:$0x3FA7]  }
0x2c: {  	s7 =	sld [smem:$0x3FA8]  }
0x2d: {  	s3 =	simm.s32 $0x108;
	s8 =	sld [smem:$0x3FA9]  }
0x2e: {  	s3 =	simm.s32 @!p0 $0x1082;
	s9 =	sld [smem:$0x3FAA]  }
0x2f: {  	lr =	sadd.s32 s0, s3;
	s0 =	sld [smem:$0x3FA1]  }
0x30: {  	s3 =	sld [smem:$0x3FA4]  }
0x31: {  	[smem:$0x3FAD] =	sst s10  }
0x32: {  	s10 =	sld [smem:$0x3FAB];
	_ =	sdelay $0x3  }
0x33: {  	p0 =	seq.s32 s10, $0x1;
	s10 =	sld [smem:$0x3FAD];
	_ =	sdelay $0x3  }
0x34: {  	[smem:$0x3FAD] =	sst s10  }
0x35: {  	s10 =	sld [smem:$0x3FAC];
	_ =	sdelay $0x3  }
0x36: {  	p1 =	seq.s32 s10, $0x1;
	s10 =	sld [smem:$0x3FAD];
	_ =	sdelay $0x3  }
0x37: {  	[smem:$0x3FAD] =	sst s10  }
0x38: {  	s10 =	sld [smem:$0x3FAE]  }
0x39: {  	_ = 	snop;
	(pc) =	sbr.ind lr, $3  }
0x3a: {  	_ = 	snop  }
0x3b: {  	_ = 	snop  }
0x3c: {  	p2 =	seq.s32 s10, $0x1;
	s10 =	sld [smem:$0x3FAD]  }
0x3d: {  	_ =	shalt  }
0x3e: {  	_ =	shalt  }
0x3f: {  	_ =	shalt  }
0x40: {  	_ =	shalt  }
0x41: {  	_ =	shalt  }
0x42: {  	_ =	shalt  }
0x43: {  	_ =	shalt  }
0x44: {  	_ =	shalt  }
0x45: {  	_ =	shalt  }
0x46: {  	_ =	shalt  }
0x47: {  	_ =	shalt  }
0x48: {  	_ =	shalt  }
0x49: {  	_ =	shalt  }
0x4a: {  	_ =	shalt  }
0x4b: {  	_ =	shalt  }
0x4c: {  	_ =	shalt  }
0x4d: {  	_ =	shalt  }
0x4e: {  	_ =	shalt  }
0x4f: {  	_ =	shalt  }
0x50: {  	_ =	shalt  }
0x51: {  	_ =	shalt  }
0x52: {  	_ =	shalt  }
0x53: {  	_ =	shalt  }
0x54: {  	_ =	shalt  }
0x55: {  	_ =	shalt  }
0x56: {  	_ =	shalt  }
0x57: {  	_ =	shalt  }
0x58: {  	_ =	shalt  }
0x59: {  	_ =	shalt  }
0x5a: {  	_ =	shalt  }
0x5b: {  	_ =	shalt  }
0x5c: {  	_ =	shalt  }
0x5d: {  	_ =	shalt  }
0x5e: {  	_ =	shalt  }
0x5f: {  	_ =	shalt  }
0x60: {  	_ =	shalt  }
0x61: {  	_ =	shalt  }
0x62: {  	_ =	shalt  }
0x63: {  	_ =	shalt  }
0x64: {  	_ =	shalt  }
0x65: {  	_ =	shalt  }
0x66: {  	_ =	shalt  }
0x67: {  	_ =	shalt  }
0x68: {  	_ =	shalt  }
0x69: {  	_ =	shalt  }
0x6a: {  	_ =	shalt  }
0x6b: {  	_ =	shalt  }
0x6c: {  	_ =	shalt  }
0x6d: {  	_ =	shalt  }
0x6e: {  	_ =	shalt  }
0x6f: {  	_ =	shalt  }
0x70: {  	_ =	shalt  }
0x71: {  	_ =	shalt  }
0x72: {  	_ =	shalt  }
0x73: {  	_ =	shalt  }
0x74: {  	_ =	shalt  }
0x75: {  	_ =	shalt  }
0x76: {  	_ =	shalt  }
0x77: {  	_ =	shalt  }
0x78: {  	_ =	shalt  }
0x79: {  	_ =	shalt  }
0x7a: {  	_ =	shalt  }
0x7b: {  	_ =	shalt  }
0x7c: {  	_ =	shalt  }
0x7d: {  	_ =	shalt  }
0x7e: {  	_ =	shalt  }
0x7f: {  	_ =	shalt  }
0x80: {  	_ =	shalt  }
0x81: {  	_ =	shalt  }
0x82: {  	_ =	shalt  }
0x83: {  	_ =	shalt  }
0x84: {  	_ =	shalt  }
0x85: {  	_ =	shalt  }
0x86: {  	_ =	shalt  }
0x87: {  	_ =	shalt  }
.Lfunc_end0:
.L_simem_size_0:
called_computation_lowered:
.L_overlay_start_0:
0x88: {  	s2 =	sld [smem:$0x3FD9]  }
0x89: {  	s3 =	sld [smem:$0x3FFE];
	_ =	sdelay $0x1  }
0x8a: {  	s1 =	srdreg.scid  }
0x8b: {  	s0 =	sand.u32 $0x1, s1  }
0x8c: {  	s17 =	sshll.u32 s0, $0xA;
	s2 =	sadd.s32 s3, s2  }
0x8d: {  	s2 =	sadd.s32 s2, s17  }
0x8e: {  	[smem:$0x3FB9] =	sst s2  }
0x8f: {  	_ = 	snop  }
0x90: {  	s2 =	sld [smem:$0x3FD0];
	(tm) =	ssettm $0x1  }
0x91: {  	s18 =	sld [smem:$0x3FFB];
	_ =	sdelay $0x3  }
0x92: {  	_ =	strace s18  }
0x93: {  	s3 =	sld [smem:$0x3FFC];
	_ =	sdelay $0x3  }
0x94: {  	_ =	strace s3  }
0x95: {  	s3 =	sld [smem:$0x3FFD];
	_ =	sdelay $0x3  }
0x96: {  	_ =	strace s3  }
0x97: {  	_ =	strace $0x8FFFFFFF  }
0x98: {  	s19 =	sld [smem:$0x3FDB];
	_ =	sdelay $0x1  }
0x99: {  	s4 =	simm.s32 $_scs_section_size  }
0x9a: {  	s5 =	simm.s32 $_size__tile_overlayer_lowered;
	s6 =	simm.s32 $_tile_overlayer_lowered  }
0x9b: {  	s22 =	simm.s32 $0x1BFF;
	s21 =	sshll.u32 s6, $0x1;
	s3 =	sadd.s32 s4, s19  }
0x9c: {  	s7 =	simm.s32 $0x0;
	s20 =	sshll.u32 s5, $0x1;
	s5 =	sadd.s32 s21, s3  }
0x9d: {  	[timem:s7], [sflag:s22] =	dma.local [hbm:s5], s20  }
0x9e: {  	_ =	swait.ge [sflag:s22], s20  }
0x9f: {  	s4 =	ssub.s32 $0x0, s20;
	[sflag:s22] =	ssyncset.done $0x0  }
0xa0: {  	[sflag:s22] =	ssyncadd.s32 s4;
	_ =	sdelay $0x1  }
0xa1: {  	s23 =	simm.s32 $0x1B8B  }
0xa2: {  	_ =	swait.ge [sflag:s23], $0x1  }
0xa3: {  	[sflag:s23] =	ssyncset.done $0x0  }
0xa4: {  	s25 =	simm.s32 $0x1B8E;
	s24 =	sld [smem:$0x3FFE];
	[sflag:s23] =	ssyncadd.s32 $0xFFFFFFFF  }
0xa5: {  	s26 =	simm.s32 $execute0_lowered;
	[smem:$0x3FD2] =	sst s25  }
0xa6: {  	s5 =	sshll.u32 s26, $0x1;
	_ =	strace $0x80000046;
	[dreg:$0x1] =	wrdreg $0xFFFFFFFF  }
0xa7: {  	s28 =	simm.s32 $_size_execute0_lowered;
	s3 =	sadd.s32 s3, s5;
	[dreg:$0x0] =	wrdreg $0x0  }
0xa8: {  	s5 =	sshll.u32 s28, $0x1;
	[dreg:$0x2] =	wrdreg s3  }
0xa9: {  	[dreg:$0x3] =	wrdreg s5  }
0xaa: {  	[dreg:$0x4] =	wrdreg $0xC0  }
0xab: {  	_ =	task [dreg:s7], $0x5FFFF  }
0xac: {  	[dreg:$0x1] =	wrdreg $0xFFFFFFFF  }
0xad: {  	[dreg:$0x0] =	wrdreg $0x60  }
0xae: {  	[dreg:$0x2] =	wrdreg s24  }
0xaf: {  	[dreg:$0x3] =	wrdreg s2  }
0xb0: {  	[dreg:$0x4] =	wrdreg $0x97000  }
0xb1: {  	[dreg:$0x5] =	wrdreg $0x9  }
0xb2: {  	_ =	task.clear_ibuf [dreg:s7], $0x6FFFF;
	_ =	strace $0x90000046  }
0xb3: {  	s29 =	simm.s32 $0x9;
	_ =	strace $0x80000048  }
0xb4: {  	_ =	swait.ge [sflag:s29], $0x1  }
0xb5: {  	[sflag:s29] =	ssyncadd.s32 $0xFFFFFFFF  }
0xb6: {  	_ =	strace $0x90000048  }
0xb7: {  	_ =	sfence  }
0xb8: {  	s30 =	sld [smem:$0x0];
	_ =	sdelay $0x2  }
0xb9: {  	s31 =	sshll.u32 s1, $0xD;
	s1 =	sshrl.u32 s1, $0x2  }
0xba: {  	s3 =	sand.u32 $0x4000, s31;
	s1 =	sadd.s32 s1, s30  }
0xbb: {  	s0 =	sor.u32 s3, s0;
	s1 =	sshll.u32 s1, $0x11  }
0xbc: {  	s0 =	sor.u32 s1, s0  }
0xbd: {  	s0 =	sadd.s32 $0x8F2B, s0  }
0xbe: {  	[sflag:s0] =	ssyncadd.remote.s32 $0x1  }
0xbf: {  	_ =	sfence.sel $0xFFFF  }
0xc0: {  	[dreg:$0x0] =	wrdreg $0xFFFFFFFF;
	(pc) =	sbr.abs _section_cstart, $3  }
0xc1: {  	[dreg:$0x1] =	wrdreg $0xFFFFFFFF  }
0xc2: {  	_ =	task.clear_ibuf [dreg:s7], $0x2FFFF;
	_ =	strace $0x9FFFFFFF  }
0xc3: {  	(tm) =	ssettm $0x7FFFFFFF  }
tec
execute0_lowered:
.L_overlay_start_1:
0x0: {  	(tag) =	ssettag $0x1  }
0x1: {  	s6 =	rddreg [dreg:$0x0]  }
0x2: {  	s7 =	rddreg [dreg:$0x1]  }
0x3: {  	s0 =	srdreg.scid;
	s2 =	rddreg [dreg:$0x2]  }
0x4: {  	s3 =	simm.s32 $0x0;
	s14 =	simm.s32 $0x4F00;
	s15 =	simm.s32 $0x2  }
0x5: {  	s16 =	simm.s32 $0x2780;
	s17 =	simm.s32 $0x80;
	s5 =	sand.u32 $0x1, s0  }
0x6: {  	s18 =	simm.s32 $0x1;
	s0 =	stileid.u32;
	s9 =	smul.u32 $0x168000, s5  }
0x7: {  	[smem:$0x7FF] =	sst s3;
	s4 =	sadd.s32 $0x2A00, s6;
	s10 =	smul.u32 $0x16800, s0  }
0x8: {  	s1 =	sshll.u32 s5, $0x4;
	s5 =	ssub.s32 $0x2, s5;
	s13 =	smul.u32 $0x5A000, s0  }
0x9: {  	s19 =	sshll.u32 s0, $0x6;
	s1 =	sor.u32 s0, s1;
	s12 =	sshrl.u32 s5, $0x1  }
0xa: {  	s19 =	sor.u32 $0x1C02, s19;
	s8 =	smul.u32 $0x4F0, s1;
	s1 =	rddreg [dreg:$0x3]  }
0xb: {  	_ =	strace $0x80000047;
	s9 =	sadd.s32 s10, s9;
	s12 =	ssub.s32 s5, s12  }
0xc: {  	s31 =	sshrl.u32 s13, $0x2;
	s20 =	sadd.s32 s10, s2;
	s9 =	sshrl.u32 s9, $0x3  }
0xd: {  	s20 =	sshrl.u32 s20, $0x3;
	s11 =	sadd.s32 s8, s6;
	s9 =	sadd.s32 s9, s6  }
0xe: {  	s5 =	sadd.s32 s7, s8;
	s7 =	sadd.s32 $0x38800, s9;
	s9 =	sadd.s32 s31, s2  }
0xf: {  	s8 =	smax.u32 s12, $0x1;
	s6 =	sadd.s32 $0x2EA00, s11;
	s10 =	sadd.s32 $0x4800, s9  }
0x10: {  	v0 =	vimm.f32 $0.0e+00;
	s11 =	sadd.s32 $0x9000, s9;
	s12 =	sadd.s32 $0xD800, s9;
	s13 =	sadd.s32 $0x12000, s9  }
.LBB2_1:
0x11: {  	s21 =	simm.s32 $0x0;
	s22 =	simm.s32 $0x240  }
.LBB2_2:
0x12: {  	p0 =	sne.s32 s22, $0x11DC0;
	[tilespmem:s21+$0x4F80] =	vst v0  }
0x13: {  	[tilespmem:s21+$0x4F00] =	vst v0  }
0x14: {  	[tilespmem:s21+$0x4F10] =	vst v0  }
0x15: {  	[tilespmem:s21+$0x4F20] =	vst v0  }
.Ltmp0:
0x16: {  	[tilespmem:s21+$0x4F30] =	vst v0;
	(pc) =	sbr.rel @p0 .LBB2_2-.Ltmp0, $4  }
0x17: {  	[tilespmem:s21+$0x4F40] =	vst v0  }
0x18: {  	[tilespmem:s21+$0x4F50] =	vst v0  }
0x19: {  	[tilespmem:s21+$0x4F60] =	vst v0  }
0x1a: {  	[tilespmem:s21+$0x4F70] =	vst v0;
	s21 =	sshra.s32 s22, $0x2;
	s22 =	sadd.s32 $0x240, s22  }
0x1b: {  	[tilespmem:s21+$0x4F80] =	vst v0  }
0x1c: {  	[tilespmem:s21+$0x4F00] =	vst v0  }
0x1d: {  	[tilespmem:s21+$0x4F10] =	vst v0  }
0x1e: {  	[tilespmem:s21+$0x4F20] =	vst v0  }
0x1f: {  	[tilespmem:s21+$0x4F30] =	vst v0  }
0x20: {  	[tilespmem:s21+$0x4F40] =	vst v0  }
0x21: {  	[tilespmem:s21+$0x4F50] =	vst v0  }
0x22: {  	[tilespmem:s21+$0x4F60] =	vst v0  }
0x23: {  	[tilespmem:s21+$0x4F70] =	vst v0  }
0x24: {  	[spmem:s9] =	stream.linear.scatter [tilespmem:s14], [sflag:$0x2], $0x4800, $0x38;
	[tilespmem:$0x1FF00] =	vst v63  }
0x25: {  	_ =	swait.ge [sflag:s15], $0x4800  }
0x26: {  	[sflag:s15] =	ssyncset.done $0x0  }
0x27: {  	[sflag:s15] =	ssyncadd.s32 $0xFFFFB800  }
0x28: {  	[spmem:s10] =	stream.linear.scatter [tilespmem:s14], [sflag:$0x2], $0x4800, $0x38;
	[tilespmem:$0x1FF00] =	vst v63  }
0x29: {  	_ =	swait.ge [sflag:s15], $0x4800  }
0x2a: {  	[sflag:s15] =	ssyncset.done $0x0  }
0x2b: {  	[sflag:s15] =	ssyncadd.s32 $0xFFFFB800  }
0x2c: {  	[spmem:s11] =	stream.linear.scatter [tilespmem:s14], [sflag:$0x2], $0x4800, $0x38;
	[tilespmem:$0x1FF00] =	vst v63  }
0x2d: {  	_ =	swait.ge [sflag:s15], $0x4800  }
0x2e: {  	[sflag:s15] =	ssyncset.done $0x0  }
0x2f: {  	[sflag:s15] =	ssyncadd.s32 $0xFFFFB800  }
0x30: {  	[spmem:s12] =	stream.linear.scatter [tilespmem:s14], [sflag:$0x2], $0x4800, $0x38;
	[tilespmem:$0x1FF00] =	vst v63  }
0x31: {  	_ =	swait.ge [sflag:s15], $0x4800  }
0x32: {  	[sflag:s15] =	ssyncset.done $0x0  }
0x33: {  	[sflag:s15] =	ssyncadd.s32 $0xFFFFB800  }
0x34: {  	[spmem:s13] =	stream.linear.scatter [tilespmem:s14], [sflag:$0x2], $0x4800, $0x38;
	[tilespmem:$0x1FF00] =	vst v63  }
0x35: {  	_ =	swait.ge [sflag:s15], $0x4800  }
0x36: {  	[sflag:s15] =	ssyncset.done $0x0  }
0x37: {  	s29 =	simm.s32 $0x0;
	[sflag:s15] =	ssyncadd.s32 $0xFFFFB800  }
0x38: {  	[tilespmem:s29], [sflag:$0x2] =	stream.linear.gather [hbm4b:s5+s29], $0x2780, $0x38;
	[tilespmem:$0x1FF00] =	vst v63  }
0x39: {  	_ =	swait.ge [sflag:s15], $0x2780  }
0x3a: {  	[sflag:s15] =	ssyncset.done $0x0  }
0x3b: {  	[sflag:s15] =	ssyncadd.s32 $0xFFFFD880  }
0x3c: {  	[tilespmem:s16], [sflag:$0x2] =	stream.linear.gather [hbm4b:s6+s29], $0x2780, $0x38;
	[tilespmem:$0x1FF00] =	vst v63  }
0x3d: {  	_ =	swait.ge [sflag:s15], $0x2780  }
0x3e: {  	[sflag:s15] =	ssyncset.done $0x0  }
0x3f: {  	[sflag:s15] =	ssyncadd.s32 $0xFFFFD880  }
0x40: {  	s30 =	simm.s32 $0x0;
	[bflag:$0x0] =	sbarrier.arrive $0xFFFF  }
0x41: {  	[tilespmem:s14], [sflag:$0x1] =	stream.indirect.gather [hbm4b:s4+s17], $0x90, s30, s17, $0xb8;
	[tilespmem:$0x1FF00] =	vst v63  }
0x42: {  	_ =	swait.ge [sflag:s18], $0x4800  }
0x43: {  	[sflag:s18] =	ssyncset.done $0x0  }
0x44: {  	s31 =	simm.s32 $0x2780;
	[sflag:s18] =	ssyncadd.s32 $0xFFFFB800  }
0x45: {  	[spmem:s2] =	stream.indirect.scatter.add.f32 [tilespmem:s14], [sflag:$0x2], $0x90, s31, s17, $0xb8;
	[tilespmem:$0x1FF00] =	vst v63  }
0x46: {  	_ =	swait.ge [sflag:s15], $0x4800  }
0x47: {  	s21 =	simm.s32 $0x200;
	s22 =	simm.s32 $0x400;
	[sflag:s15] =	ssyncset.done $0x0  }
.LBB2_4:
0x48: {  	s23 =	sshra.s32 s21, $0x2  }
0x49: {  	[sflag:s15] =	ssyncadd.s32 $0xFFFFB800;
	s21 =	smov.u32 s22;
	s24 =	sadd.s32 $0x200, s22  }
0x4a: {  	[tilespmem:s14], [sflag:$0x1] =	stream.indirect.gather [hbm4b:s4+s17], $0x90, s23, s17, $0xb8;
	[tilespmem:$0x1FF00] =	vst v63  }
0x4b: {  	p0 =	sne.s32 s22, $0x9C00;
	_ =	swait.ge [sflag:s18], $0x4800  }
.Ltmp1:
0x4c: {  	[sflag:s18] =	ssyncset.done $0x0;
	(pc) =	sbr.rel @p0 .LBB2_4-.Ltmp1, $4  }
0x4d: {  	s22 =	sadd.s32 $0x2780, s23;
	[sflag:s18] =	ssyncadd.s32 $0xFFFFB800  }
0x4e: {  	[spmem:s2] =	stream.indirect.scatter.add.f32 [tilespmem:s14], [sflag:$0x2], $0x90, s22, s17, $0xb8;
	[tilespmem:$0x1FF00] =	vst v63  }
0x4f: {  	_ =	swait.ge [sflag:s15], $0x4800  }
0x50: {  	s22 =	smov.u32 s24;
	[sflag:s15] =	ssyncset.done $0x0  }
0x51: {  	s21 =	sshra.s32 s21, $0x2;
	[sflag:s15] =	ssyncadd.s32 $0xFFFFB800  }
0x52: {  	[tilespmem:s14], [sflag:$0x1] =	stream.indirect.gather [hbm4b:s4+s17], $0x90, s21, s17, $0xb8;
	[tilespmem:$0x1FF00] =	vst v63  }
0x53: {  	_ =	swait.ge [sflag:s18], $0x4800  }
0x54: {  	[sflag:s18] =	ssyncset.done $0x0  }
0x55: {  	s21 =	sadd.s32 $0x2780, s21;
	[sflag:s18] =	ssyncadd.s32 $0xFFFFB800  }
0x56: {  	[spmem:s2] =	stream.indirect.scatter.add.f32 [tilespmem:s14], [sflag:$0x2], $0x90, s21, s17, $0xb8;
	[tilespmem:$0x1FF00] =	vst v63  }
0x57: {  	_ =	swait.ge [sflag:s15], $0x4800  }
0x58: {  	s3 =	sadd.s32 $0x1, s3;
	[sflag:s15] =	ssyncset.done $0x0  }
0x59: {  	p0 =	sne.s32 s3, s8;
	[sflag:s15] =	ssyncadd.s32 $0xFFFFB800  }
.Ltmp2:
0x5a: {  	[bflag:$0x0] =	sbarrier.arrive $0xFFFF;
	(pc) =	sbr.rel @p0 .LBB2_1-.Ltmp2, $4  }
0x5b: {  	[hbm:s7], [sflag:s19] =	dma.local [spmem:s20], $0x2D00  }
0x5c: {  	_ =	swait.ge [sflag:s15], $0x2D00  }
0x5d: {  	[sflag:s15] =	ssyncset.done $0x0  }
0x5e: {  	[sflag:s15] =	ssyncadd.s32 $0xFFFFD300  }
0x5f: {  	_ =	sfence.sel $0x180000  }
0x60: {  	[bflag:$0x0] =	sbarrier.arrive $0xFFFF  }
0x61: {  	p0 =	sne.s32 s0, $0x0;
	_ =	strace $0x90000047  }
0x62: {  	s0 =	sadd.s32 @!p0 $0x100000, s1;
	[bflag:$0x2] =	sbarrier.arrive $0xFFFF  }
0x63: {  	[sflag:s0] =	ssyncadd.tile.s32 @!p0 $0x1;
	_ =	shalt  }
.Lfunc_end2:
_tile_overlayer_lowered:
.L_overlay_start_2:
0x64: {  	(tag) =	ssettag $0x2  }
0x65: {  	s0 =	rddreg [dreg:$0x0];
	s2 =	stileid.u32  }
0x66: {  	s1 =	rddreg [dreg:$0x1];
	p0 =	sne.s32 s2, $0x0  }
0x67: {  	s3 =	rddreg [dreg:$0x2];
	[bflag:$0x3] =	sbarrier.arrive $0xFFFF;
	s2 =	simm.s32 @!p0 $0x1C02  }
0x68: {  	[timem:s3], [sflag:s2] =	dma.local @!p0 [hbm:s0], s1  }
0x69: {  	s0 =	simm.s32 @!p0 $0x2  }
0x6a: {  	_ =	swait.ge @!p0 [sflag:s0], s1  }
0x6b: {  	s1 =	ssub.s32 @!p0 $0x0, s1;
	[sflag:s0] =	ssyncset.done @!p0 $0x0  }
0x6c: {  	[sflag:s0] =	ssyncadd.s32 @!p0 s1  }
0x6d: {  	[bflag:$0x3] =	sbarrier.arrive $0xFFFF  }
0x6e: {  	_ =	shalt  }

</sc_bundles>
